<compile_context>
chip_gen: v7x
topology: tpu7x:2x2x1
jax: 0.10.2.dev20260603
libtpu: 0.0.44.dev20260713+nightly
codegen_flags: <defaults>
</compile_context>

<pallas_src>
import functools

import jax
import jax.numpy as jnp
from jax import lax
from jax.experimental import pallas as pl
from jax.experimental.pallas import tpu as pltpu
from jax.experimental.pallas import tpu_sc as plsc

L = 16
GRP = 128


def _make_sc_kernel(B, D, NC, NS):
    NW = NC * NS
    SPW = B // NW
    G = SPW // GRP
    NBUF = 2
    CH = D // L

    mesh = plsc.VectorSubcoreMesh(core_axis_name="c", subcore_axis_name="s")

    @functools.partial(
        pl.kernel,
        mesh=mesh,
        compiler_params=pltpu.CompilerParams(needs_layout_passes=False),
        out_type=jax.ShapeDtypeStruct((B,), jnp.float32),
        scratch_types=[
            pltpu.VMEM((3, G, GRP), jnp.int32),
            pltpu.VMEM((NBUF, GRP, D), jnp.float32),
            pltpu.VMEM((NBUF, GRP, D), jnp.float32),
            pltpu.VMEM((NBUF, GRP, D), jnp.float32),
            pltpu.VMEM((3 * D + L,), jnp.float32),
            pltpu.VMEM((SPW,), jnp.float32),
            pltpu.VMEM((L * GRP,), jnp.float32),
            pltpu.SemaphoreType.DMA,
            pltpu.SemaphoreType.DMA,
            pltpu.SemaphoreType.DMA,
            pltpu.SemaphoreType.DMA,
        ],
    )
    def sc_kernel(i1_hbm, i2_hbm, i3_hbm, t1_hbm, t2_hbm, wb_hbm, out_hbm,
                  idx_v, r1_v, r2_v, r3_v, wb_v, out_v, accs_v, sem0, sem1,
                  sem2, semp):
        wid = lax.axis_index("s") * NC + lax.axis_index("c")
        base = wid * SPW

        hwb = pltpu.async_copy(wb_hbm, wb_v, semp)
        copies = (
            pltpu.async_copy(i1_hbm.at[wid], idx_v.at[0], semp),
            pltpu.async_copy(i2_hbm.at[wid], idx_v.at[1], semp),
            pltpu.async_copy(i3_hbm.at[wid], idx_v.at[2], semp),
        )
        for h in copies:
            h.wait()

        sems = (sem0, sem1, sem2)

        def start_group(g):
            buf = g % NBUF
            sem = sems[buf]
            return (
                pltpu.async_copy(t1_hbm.at[idx_v.at[0, g]], r1_v.at[buf], sem),
                pltpu.async_copy(t1_hbm.at[idx_v.at[1, g]], r2_v.at[buf], sem),
                pltpu.async_copy(t2_hbm.at[idx_v.at[2, g]], r3_v.at[buf], sem),
            )

        pend = [start_group(g) for g in range(NBUF)]
        hwb.wait()

        wv = [wb_v[pl.ds(16 * k, L)] for k in range(3 * CH)]
        bias_vec = wb_v[pl.ds(3 * D, L)]
        iota_scaled = lax.iota(jnp.int32, L) * GRP

        for g in range(G):
            for h in pend.pop(0):
                h.wait()

            buf = g % NBUF

            for v in range(GRP // L):
                out_v[pl.ds(g * GRP + v * L, L)] = (
                    r1_v[buf, 0, pl.ds(0, L)] + bias_vec)

            if g + NBUF < G:
                pend.append(start_group(g + NBUF))

        pltpu.sync_copy(out_v, out_hbm.at[pl.ds(base, SPW)])

    return sc_kernel


def kernel(f1, f2, f3, table1, table2, W, b):
    B = f1.shape[0]
    D = table1.shape[1]
    info = plsc.get_sparse_core_info()
    NC, NS = info.num_cores, info.num_subcores
    NW = NC * NS
    G = B // (NW * GRP)
    i1 = f1.astype(jnp.int32).reshape(NW, G, GRP)
    i2 = f2.astype(jnp.int32).reshape(NW, G, GRP)
    i3 = f3.astype(jnp.int32).reshape(NW, G, GRP)
    wb = jnp.concatenate(
        [W.reshape(3 * D), jnp.broadcast_to(b.astype(jnp.float32), (L,))])

    sc = _make_sc_kernel(B, D, NC, NS)
    out = sc(i1, i2, i3, table1, table2, wb)
    return out.reshape(B, 1)

# --- scband reference (transcript-rebuilt; emitter-appended) ---
"""Pipeline reference for scband-custom-model-2534030704644 (READ-ONLY COPY).

The authoritative reference and input builder live on the scoring server;
editing this copy changes nothing except your own understanding.
"""

import jax, jax.numpy as jnp
import numpy as np

VOCAB = 100000
B = 16384
D = 128

def setup_inputs(seed: int = 0) -> dict:
    key = jax.random.key(seed)
    k1, k2, k3, k4, k5, k6 = jax.random.split(key, 6)
    f1 = jax.random.randint(k1, (B,), 0, VOCAB, dtype=jnp.int64) if jax.config.jax_enable_x64 else jax.random.randint(k1, (B,), 0, VOCAB)
    f2 = jax.random.randint(k2, (B,), 0, VOCAB)
    f3 = jax.random.randint(k3, (B,), 0, VOCAB)
    table1 = jax.random.normal(k4, (VOCAB, D), dtype=jnp.float32) * 0.05
    table2 = jax.random.normal(k5, (VOCAB, D), dtype=jnp.float32) * 0.05
    W = jax.random.normal(k6, (3 * D, 1), dtype=jnp.float32) * 0.05
    b = jnp.zeros((1,), dtype=jnp.float32)
    return {"f1": f1, "f2": f2, "f3": f3, "table1": table1, "table2": table2, "W": W, "b": b}

def reference(f1, f2, f3, table1, table2, W, b):
    # embedding_1 lookups (shared table for f1 and f2)
    e1 = jnp.take(table1, f1, axis=0)
    e2 = jnp.take(table1, f2, axis=0)
    # embedding_2 lookup
    e3 = jnp.take(table2, f3, axis=0)
    # Concatenate along feature axis -> [B, 3*D]
    x = jnp.concatenate([e1, e2, e3], axis=-1)
    # Dense(1)
    x = x @ W + b
    # Flatten
    return x.reshape(x.shape[0], -1)

if __name__ == "__main__":
    import jax
    _d = setup_inputs()
    print(jax.jit(kernel)(*tuple(_d.values())))

</pallas_src>

<mosaic_0001>
#map = affine_map<(d0, d1) -> (0, 0, 0)>
#map1 = affine_map<(d0, d1) -> (0, 0)>
#map2 = affine_map<(d0, d1) -> (0)>
module attributes {stable_mosaic.version = 14 : i64} {
  func.func @sc_kernel(%arg0: i32, %arg1: i32, %arg2: memref<32x4x128xi32, #tpu.memory_space<hbm>>, %arg3: memref<32x4x128xi32, #tpu.memory_space<hbm>>, %arg4: memref<32x4x128xi32, #tpu.memory_space<hbm>>, %arg5: memref<100000x128xf32, #tpu.memory_space<hbm>>, %arg6: memref<100000x128xf32, #tpu.memory_space<hbm>>, %arg7: memref<400xf32, #tpu.memory_space<hbm>>, %arg8: memref<16384xf32, #tpu.memory_space<hbm>>, %arg9: memref<3x4x128xi32, #tpu.memory_space<vmem>>, %arg10: memref<2x128x128xf32, #tpu.memory_space<vmem>>, %arg11: memref<2x128x128xf32, #tpu.memory_space<vmem>>, %arg12: memref<2x128x128xf32, #tpu.memory_space<vmem>>, %arg13: memref<400xf32, #tpu.memory_space<vmem>>, %arg14: memref<512xf32, #tpu.memory_space<vmem>>, %arg15: memref<2048xf32, #tpu.memory_space<vmem>>, %arg16: memref<!tpu.dma_semaphore, #tpu.memory_space<semaphore_mem>>, %arg17: memref<!tpu.dma_semaphore, #tpu.memory_space<semaphore_mem>>, %arg18: memref<!tpu.dma_semaphore, #tpu.memory_space<semaphore_mem>>, %arg19: memref<!tpu.dma_semaphore, #tpu.memory_space<semaphore_mem>>) attributes {dimension_semantics = [#tpu.dimension_semantics<core_parallel>, #tpu.dimension_semantics<subcore_parallel>], iteration_bounds = array<i64: 2, 16>, scalar_prefetch = 0 : i64, scratch_operands = 11 : i64, tpu.core_type = #tpu.core_type<sc_vector_subcore>, window_params = [{transform_indices = #map}, {transform_indices = #map}, {transform_indices = #map}, {transform_indices = #map1}, {transform_indices = #map1}, {transform_indices = #map2}, {transform_indices = #map2}]} {
    %mul3A = arith.constant 2 : i32
    %mul3A_0 = arith.muli %arg1, %mul3A : i32
    %add3A = arith.addi %mul3A_0, %arg0 : i32
    %mul3A_1 = arith.constant 512 : i32
    %mul3A_2 = arith.muli %add3A, %mul3A_1 : i32
    tpu.enqueue_dma source(%arg7 : memref<400xf32, #tpu.memory_space<hbm>>) target(%arg13 : memref<400xf32, #tpu.memory_space<vmem>>) target_semaphore(%arg19 : memref<!tpu.dma_semaphore, #tpu.memory_space<semaphore_mem>>)
    %dma_start3A = arith.constant 0 : i32
    %dma_start3A_3 = arith.constant 0 : i32
    %dma_start3A_4 = arith.constant 0 : i32
    %dma_start3A_5 = tpu.memref_slice %arg9[%dma_start3A, %dma_start3A_3, %dma_start3A_4] : memref<3x4x128xi32, #tpu.memory_space<vmem>> -> memref<1x4x128xi32, #tpu.memory_space<vmem>>
    %dma_start3A_6 = tpu.memref_squeeze %dma_start3A_5 : memref<1x4x128xi32, #tpu.memory_space<vmem>> -> memref<4x128xi32, #tpu.memory_space<vmem>>
    %dma_start3A_7 = arith.constant 0 : i32
    %dma_start3A_8 = arith.constant 0 : i32
    %dma_start3A_9 = tpu.memref_slice %arg2[%add3A, %dma_start3A_7, %dma_start3A_8] : memref<32x4x128xi32, #tpu.memory_space<hbm>> -> memref<1x4x128xi32, #tpu.memory_space<hbm>>
    %dma_start3A_10 = tpu.memref_squeeze %dma_start3A_9 : memref<1x4x128xi32, #tpu.memory_space<hbm>> -> memref<4x128xi32, #tpu.memory_space<hbm>>
    %dma_start3A_11 = arith.constant 0 : i32
    %dma_start3A_12 = arith.constant 0 : i32
    %dma_start3A_13 = tpu.memref_slice %arg9[%dma_start3A, %dma_start3A_11, %dma_start3A_12] : memref<3x4x128xi32, #tpu.memory_space<vmem>> -> memref<1x4x128xi32, #tpu.memory_space<vmem>>
    %dma_start3A_14 = tpu.memref_squeeze %dma_start3A_13 : memref<1x4x128xi32, #tpu.memory_space<vmem>> -> memref<4x128xi32, #tpu.memory_space<vmem>>
    %dma_start3A_15 = arith.constant 0 : i32
    %dma_start3A_16 = arith.constant 0 : i32
    %dma_start3A_17 = tpu.memref_slice %arg2[%add3A, %dma_start3A_15, %dma_start3A_16] : memref<32x4x128xi32, #tpu.memory_space<hbm>> -> memref<1x4x128xi32, #tpu.memory_space<hbm>>
    %dma_start3A_18 = tpu.memref_squeeze %dma_start3A_17 : memref<1x4x128xi32, #tpu.memory_space<hbm>> -> memref<4x128xi32, #tpu.memory_space<hbm>>
    tpu.enqueue_dma source(%dma_start3A_18 : memref<4x128xi32, #tpu.memory_space<hbm>>) target(%dma_start3A_14 : memref<4x128xi32, #tpu.memory_space<vmem>>) target_semaphore(%arg19 : memref<!tpu.dma_semaphore, #tpu.memory_space<semaphore_mem>>)
    %dma_start3A_19 = arith.constant 1 : i32
    %dma_start3A_20 = arith.constant 0 : i32
    %dma_start3A_21 = arith.constant 0 : i32
    %dma_start3A_22 = tpu.memref_slice %arg9[%dma_start3A_19, %dma_start3A_20, %dma_start3A_21] : memref<3x4x128xi32, #tpu.memory_space<vmem>> -> memref<1x4x128xi32, #tpu.memory_space<vmem>>
    %dma_start3A_23 = tpu.memref_squeeze %dma_start3A_22 : memref<1x4x128xi32, #tpu.memory_space<vmem>> -> memref<4x128xi32, #tpu.memory_space<vmem>>
    %dma_start3A_24 = arith.constant 0 : i32
    %dma_start3A_25 = arith.constant 0 : i32
    %dma_start3A_26 = tpu.memref_slice %arg3[%add3A, %dma_start3A_24, %dma_start3A_25] : memref<32x4x128xi32, #tpu.memory_space<hbm>> -> memref<1x4x128xi32, #tpu.memory_space<hbm>>
    %dma_start3A_27 = tpu.memref_squeeze %dma_start3A_26 : memref<1x4x128xi32, #tpu.memory_space<hbm>> -> memref<4x128xi32, #tpu.memory_space<hbm>>
    %dma_start3A_28 = arith.constant 0 : i32
    %dma_start3A_29 = arith.constant 0 : i32
    %dma_start3A_30 = tpu.memref_slice %arg9[%dma_start3A_19, %dma_start3A_28, %dma_start3A_29] : memref<3x4x128xi32, #tpu.memory_space<vmem>> -> memref<1x4x128xi32, #tpu.memory_space<vmem>>
    %dma_start3A_31 = tpu.memref_squeeze %dma_start3A_30 : memref<1x4x128xi32, #tpu.memory_space<vmem>> -> memref<4x128xi32, #tpu.memory_space<vmem>>
    %dma_start3A_32 = arith.constant 0 : i32
    %dma_start3A_33 = arith.constant 0 : i32
    %dma_start3A_34 = tpu.memref_slice %arg3[%add3A, %dma_start3A_32, %dma_start3A_33] : memref<32x4x128xi32, #tpu.memory_space<hbm>> -> memref<1x4x128xi32, #tpu.memory_space<hbm>>
    %dma_start3A_35 = tpu.memref_squeeze %dma_start3A_34 : memref<1x4x128xi32, #tpu.memory_space<hbm>> -> memref<4x128xi32, #tpu.memory_space<hbm>>
    tpu.enqueue_dma source(%dma_start3A_35 : memref<4x128xi32, #tpu.memory_space<hbm>>) target(%dma_start3A_31 : memref<4x128xi32, #tpu.memory_space<vmem>>) target_semaphore(%arg19 : memref<!tpu.dma_semaphore, #tpu.memory_space<semaphore_mem>>)
    %dma_start3A_36 = arith.constant 2 : i32
    %dma_start3A_37 = arith.constant 0 : i32
    %dma_start3A_38 = arith.constant 0 : i32
    %dma_start3A_39 = tpu.memref_slice %arg9[%dma_start3A_36, %dma_start3A_37, %dma_start3A_38] : memref<3x4x128xi32, #tpu.memory_space<vmem>> -> memref<1x4x128xi32, #tpu.memory_space<vmem>>
    %dma_start3A_40 = tpu.memref_squeeze %dma_start3A_39 : memref<1x4x128xi32, #tpu.memory_space<vmem>> -> memref<4x128xi32, #tpu.memory_space<vmem>>
    %dma_start3A_41 = arith.constant 0 : i32
    %dma_start3A_42 = arith.constant 0 : i32
    %dma_start3A_43 = tpu.memref_slice %arg4[%add3A, %dma_start3A_41, %dma_start3A_42] : memref<32x4x128xi32, #tpu.memory_space<hbm>> -> memref<1x4x128xi32, #tpu.memory_space<hbm>>
    %dma_start3A_44 = tpu.memref_squeeze %dma_start3A_43 : memref<1x4x128xi32, #tpu.memory_space<hbm>> -> memref<4x128xi32, #tpu.memory_space<hbm>>
    %dma_start3A_45 = arith.constant 0 : i32
    %dma_start3A_46 = arith.constant 0 : i32
    %dma_start3A_47 = tpu.memref_slice %arg9[%dma_start3A_36, %dma_start3A_45, %dma_start3A_46] : memref<3x4x128xi32, #tpu.memory_space<vmem>> -> memref<1x4x128xi32, #tpu.memory_space<vmem>>
    %dma_start3A_48 = tpu.memref_squeeze %dma_start3A_47 : memref<1x4x128xi32, #tpu.memory_space<vmem>> -> memref<4x128xi32, #tpu.memory_space<vmem>>
    %dma_start3A_49 = arith.constant 0 : i32
    %dma_start3A_50 = arith.constant 0 : i32
    %dma_start3A_51 = tpu.memref_slice %arg4[%add3A, %dma_start3A_49, %dma_start3A_50] : memref<32x4x128xi32, #tpu.memory_space<hbm>> -> memref<1x4x128xi32, #tpu.memory_space<hbm>>
    %dma_start3A_52 = tpu.memref_squeeze %dma_start3A_51 : memref<1x4x128xi32, #tpu.memory_space<hbm>> -> memref<4x128xi32, #tpu.memory_space<hbm>>
    tpu.enqueue_dma source(%dma_start3A_52 : memref<4x128xi32, #tpu.memory_space<hbm>>) target(%dma_start3A_48 : memref<4x128xi32, #tpu.memory_space<vmem>>) target_semaphore(%arg19 : memref<!tpu.dma_semaphore, #tpu.memory_space<semaphore_mem>>)
    %dma_wait3A = arith.constant 0 : i32
    %dma_wait3A_53 = arith.constant 0 : i32
    %dma_wait3A_54 = arith.constant 0 : i32
    %dma_wait3A_55 = tpu.memref_slice %arg9[%dma_wait3A, %dma_wait3A_53, %dma_wait3A_54] : memref<3x4x128xi32, #tpu.memory_space<vmem>> -> memref<1x4x128xi32, #tpu.memory_space<vmem>>
    %dma_wait3A_56 = tpu.memref_squeeze %dma_wait3A_55 : memref<1x4x128xi32, #tpu.memory_space<vmem>> -> memref<4x128xi32, #tpu.memory_space<vmem>>
    %dma_wait3A_57 = arith.constant 0 : i32
    %dma_wait3A_58 = arith.constant 0 : i32
    %dma_wait3A_59 = tpu.memref_slice %arg2[%add3A, %dma_wait3A_57, %dma_wait3A_58] : memref<32x4x128xi32, #tpu.memory_space<hbm>> -> memref<1x4x128xi32, #tpu.memory_space<hbm>>
    %dma_wait3A_60 = tpu.memref_squeeze %dma_wait3A_59 : memref<1x4x128xi32, #tpu.memory_space<hbm>> -> memref<4x128xi32, #tpu.memory_space<hbm>>
    %dma_wait3A_61 = arith.constant 0 : i32
    %dma_wait3A_62 = arith.constant 0 : i32
    %dma_wait3A_63 = tpu.memref_slice %arg9[%dma_wait3A, %dma_wait3A_61, %dma_wait3A_62] : memref<3x4x128xi32, #tpu.memory_space<vmem>> -> memref<1x4x128xi32, #tpu.memory_space<vmem>>
    %dma_wait3A_64 = tpu.memref_squeeze %dma_wait3A_63 : memref<1x4x128xi32, #tpu.memory_space<vmem>> -> memref<4x128xi32, #tpu.memory_space<vmem>>
    %dma_wait3A_65 = arith.constant 0 : i32
    %dma_wait3A_66 = arith.constant 0 : i32
    %dma_wait3A_67 = tpu.memref_slice %arg2[%add3A, %dma_wait3A_65, %dma_wait3A_66] : memref<32x4x128xi32, #tpu.memory_space<hbm>> -> memref<1x4x128xi32, #tpu.memory_space<hbm>>
    %dma_wait3A_68 = tpu.memref_squeeze %dma_wait3A_67 : memref<1x4x128xi32, #tpu.memory_space<hbm>> -> memref<4x128xi32, #tpu.memory_space<hbm>>
    tpu.wait_dma2 semaphore(%arg19 : memref<!tpu.dma_semaphore, #tpu.memory_space<semaphore_mem>>) src(%dma_wait3A_68 : memref<4x128xi32, #tpu.memory_space<hbm>>) dst(%dma_wait3A_64 : memref<4x128xi32, #tpu.memory_space<vmem>>)
    %dma_wait3A_69 = arith.constant 1 : i32
    %dma_wait3A_70 = arith.constant 0 : i32
    %dma_wait3A_71 = arith.constant 0 : i32
    %dma_wait3A_72 = tpu.memref_slice %arg9[%dma_wait3A_69, %dma_wait3A_70, %dma_wait3A_71] : memref<3x4x128xi32, #tpu.memory_space<vmem>> -> memref<1x4x128xi32, #tpu.memory_space<vmem>>
    %dma_wait3A_73 = tpu.memref_squeeze %dma_wait3A_72 : memref<1x4x128xi32, #tpu.memory_space<vmem>> -> memref<4x128xi32, #tpu.memory_space<vmem>>
    %dma_wait3A_74 = arith.constant 0 : i32
    %dma_wait3A_75 = arith.constant 0 : i32
    %dma_wait3A_76 = tpu.memref_slice %arg3[%add3A, %dma_wait3A_74, %dma_wait3A_75] : memref<32x4x128xi32, #tpu.memory_space<hbm>> -> memref<1x4x128xi32, #tpu.memory_space<hbm>>
    %dma_wait3A_77 = tpu.memref_squeeze %dma_wait3A_76 : memref<1x4x128xi32, #tpu.memory_space<hbm>> -> memref<4x128xi32, #tpu.memory_space<hbm>>
    %dma_wait3A_78 = arith.constant 0 : i32
    %dma_wait3A_79 = arith.constant 0 : i32
    %dma_wait3A_80 = tpu.memref_slice %arg9[%dma_wait3A_69, %dma_wait3A_78, %dma_wait3A_79] : memref<3x4x128xi32, #tpu.memory_space<vmem>> -> memref<1x4x128xi32, #tpu.memory_space<vmem>>
    %dma_wait3A_81 = tpu.memref_squeeze %dma_wait3A_80 : memref<1x4x128xi32, #tpu.memory_space<vmem>> -> memref<4x128xi32, #tpu.memory_space<vmem>>
    %dma_wait3A_82 = arith.constant 0 : i32
    %dma_wait3A_83 = arith.constant 0 : i32
    %dma_wait3A_84 = tpu.memref_slice %arg3[%add3A, %dma_wait3A_82, %dma_wait3A_83] : memref<32x4x128xi32, #tpu.memory_space<hbm>> -> memref<1x4x128xi32, #tpu.memory_space<hbm>>
    %dma_wait3A_85 = tpu.memref_squeeze %dma_wait3A_84 : memref<1x4x128xi32, #tpu.memory_space<hbm>> -> memref<4x128xi32, #tpu.memory_space<hbm>>
    tpu.wait_dma2 semaphore(%arg19 : memref<!tpu.dma_semaphore, #tpu.memory_space<semaphore_mem>>) src(%dma_wait3A_85 : memref<4x128xi32, #tpu.memory_space<hbm>>) dst(%dma_wait3A_81 : memref<4x128xi32, #tpu.memory_space<vmem>>)
    %dma_wait3A_86 = arith.constant 2 : i32
    %dma_wait3A_87 = arith.constant 0 : i32
    %dma_wait3A_88 = arith.constant 0 : i32
    %dma_wait3A_89 = tpu.memref_slice %arg9[%dma_wait3A_86, %dma_wait3A_87, %dma_wait3A_88] : memref<3x4x128xi32, #tpu.memory_space<vmem>> -> memref<1x4x128xi32, #tpu.memory_space<vmem>>
    %dma_wait3A_90 = tpu.memref_squeeze %dma_wait3A_89 : memref<1x4x128xi32, #tpu.memory_space<vmem>> -> memref<4x128xi32, #tpu.memory_space<vmem>>
    %dma_wait3A_91 = arith.constant 0 : i32
    %dma_wait3A_92 = arith.constant 0 : i32
    %dma_wait3A_93 = tpu.memref_slice %arg4[%add3A, %dma_wait3A_91, %dma_wait3A_92] : memref<32x4x128xi32, #tpu.memory_space<hbm>> -> memref<1x4x128xi32, #tpu.memory_space<hbm>>
    %dma_wait3A_94 = tpu.memref_squeeze %dma_wait3A_93 : memref<1x4x128xi32, #tpu.memory_space<hbm>> -> memref<4x128xi32, #tpu.memory_space<hbm>>
    %dma_wait3A_95 = arith.constant 0 : i32
    %dma_wait3A_96 = arith.constant 0 : i32
    %dma_wait3A_97 = tpu.memref_slice %arg9[%dma_wait3A_86, %dma_wait3A_95, %dma_wait3A_96] : memref<3x4x128xi32, #tpu.memory_space<vmem>> -> memref<1x4x128xi32, #tpu.memory_space<vmem>>
    %dma_wait3A_98 = tpu.memref_squeeze %dma_wait3A_97 : memref<1x4x128xi32, #tpu.memory_space<vmem>> -> memref<4x128xi32, #tpu.memory_space<vmem>>
    %dma_wait3A_99 = arith.constant 0 : i32
    %dma_wait3A_100 = arith.constant 0 : i32
    %dma_wait3A_101 = tpu.memref_slice %arg4[%add3A, %dma_wait3A_99, %dma_wait3A_100] : memref<32x4x128xi32, #tpu.memory_space<hbm>> -> memref<1x4x128xi32, #tpu.memory_space<hbm>>
    %dma_wait3A_102 = tpu.memref_squeeze %dma_wait3A_101 : memref<1x4x128xi32, #tpu.memory_space<hbm>> -> memref<4x128xi32, #tpu.memory_space<hbm>>
    tpu.wait_dma2 semaphore(%arg19 : memref<!tpu.dma_semaphore, #tpu.memory_space<semaphore_mem>>) src(%dma_wait3A_102 : memref<4x128xi32, #tpu.memory_space<hbm>>) dst(%dma_wait3A_98 : memref<4x128xi32, #tpu.memory_space<vmem>>)
    %dma_start3A_103 = arith.constant 0 : i32
    %dma_start3A_104 = arith.constant 0 : i32
    %dma_start3A_105 = arith.constant 0 : i32
    %dma_start3A_106 = arith.constant 0 : i32
    %dma_start3A_107 = arith.constant 0 : i32
    %dma_start3A_108 = tpu.memref_slice %arg10[%dma_start3A_105, %dma_start3A_106, %dma_start3A_107] : memref<2x128x128xf32, #tpu.memory_space<vmem>> -> memref<1x128x128xf32, #tpu.memory_space<vmem>>
    %dma_start3A_109 = tpu.memref_squeeze %dma_start3A_108 : memref<1x128x128xf32, #tpu.memory_space<vmem>> -> memref<128x128xf32, #tpu.memory_space<vmem>>
    %dma_start3A_110 = arith.constant 0 : i32
    %dma_start3A_111 = tpu.memref_slice %arg9[%dma_start3A_103, %dma_start3A_104, %dma_start3A_110] : memref<3x4x128xi32, #tpu.memory_space<vmem>> -> memref<1x1x128xi32, #tpu.memory_space<vmem>>
    %dma_start3A_112 = tpu.memref_squeeze %dma_start3A_111 : memref<1x1x128xi32, #tpu.memory_space<vmem>> -> memref<128xi32, #tpu.memory_space<vmem>>
    %dma_start3A_113 = arith.constant 0 : i32
    %dma_start3A_114 = arith.constant 0 : i32
    %dma_start3A_115 = tpu.memref_slice %arg5[%dma_start3A_113, %dma_start3A_114] : memref<100000x128xf32, #tpu.memory_space<hbm>> -> memref<100000x128xf32, #tpu.memory_space<hbm>>
    tpu.enqueue_indirect_dma source(%dma_start3A_115 : memref<100000x128xf32, #tpu.memory_space<hbm>>) target(%dma_start3A_109 : memref<128x128xf32, #tpu.memory_space<vmem>>) offsets(%dma_start3A_112 : memref<128xi32, #tpu.memory_space<vmem>>) semaphore(%arg16 : memref<!tpu.dma_semaphore, #tpu.memory_space<semaphore_mem>>)
    %dma_start3A_116 = arith.constant 1 : i32
    %dma_start3A_117 = arith.constant 0 : i32
    %dma_start3A_118 = arith.constant 0 : i32
    %dma_start3A_119 = arith.constant 0 : i32
    %dma_start3A_120 = arith.constant 0 : i32
    %dma_start3A_121 = tpu.memref_slice %arg11[%dma_start3A_118, %dma_start3A_119, %dma_start3A_120] : memref<2x128x128xf32, #tpu.memory_space<vmem>> -> memref<1x128x128xf32, #tpu.memory_space<vmem>>
    %dma_start3A_122 = tpu.memref_squeeze %dma_start3A_121 : memref<1x128x128xf32, #tpu.memory_space<vmem>> -> memref<128x128xf32, #tpu.memory_space<vmem>>
    %dma_start3A_123 = arith.constant 0 : i32
    %dma_start3A_124 = tpu.memref_slice %arg9[%dma_start3A_116, %dma_start3A_117, %dma_start3A_123] : memref<3x4x128xi32, #tpu.memory_space<vmem>> -> memref<1x1x128xi32, #tpu.memory_space<vmem>>
    %dma_start3A_125 = tpu.memref_squeeze %dma_start3A_124 : memref<1x1x128xi32, #tpu.memory_space<vmem>> -> memref<128xi32, #tpu.memory_space<vmem>>
    %dma_start3A_126 = arith.constant 0 : i32
    %dma_start3A_127 = arith.constant 0 : i32
    %dma_start3A_128 = tpu.memref_slice %arg5[%dma_start3A_126, %dma_start3A_127] : memref<100000x128xf32, #tpu.memory_space<hbm>> -> memref<100000x128xf32, #tpu.memory_space<hbm>>
    tpu.enqueue_indirect_dma source(%dma_start3A_128 : memref<100000x128xf32, #tpu.memory_space<hbm>>) target(%dma_start3A_122 : memref<128x128xf32, #tpu.memory_space<vmem>>) offsets(%dma_start3A_125 : memref<128xi32, #tpu.memory_space<vmem>>) semaphore(%arg16 : memref<!tpu.dma_semaphore, #tpu.memory_space<semaphore_mem>>)
    %dma_start3A_129 = arith.constant 2 : i32
    %dma_start3A_130 = arith.constant 0 : i32
    %dma_start3A_131 = arith.constant 0 : i32
    %dma_start3A_132 = arith.constant 0 : i32
    %dma_start3A_133 = arith.constant 0 : i32
    %dma_start3A_134 = tpu.memref_slice %arg12[%dma_start3A_131, %dma_start3A_132, %dma_start3A_133] : memref<2x128x128xf32, #tpu.memory_space<vmem>> -> memref<1x128x128xf32, #tpu.memory_space<vmem>>
    %dma_start3A_135 = tpu.memref_squeeze %dma_start3A_134 : memref<1x128x128xf32, #tpu.memory_space<vmem>> -> memref<128x128xf32, #tpu.memory_space<vmem>>
    %dma_start3A_136 = arith.constant 0 : i32
    %dma_start3A_137 = tpu.memref_slice %arg9[%dma_start3A_129, %dma_start3A_130, %dma_start3A_136] : memref<3x4x128xi32, #tpu.memory_space<vmem>> -> memref<1x1x128xi32, #tpu.memory_space<vmem>>
    %dma_start3A_138 = tpu.memref_squeeze %dma_start3A_137 : memref<1x1x128xi32, #tpu.memory_space<vmem>> -> memref<128xi32, #tpu.memory_space<vmem>>
    %dma_start3A_139 = arith.constant 0 : i32
    %dma_start3A_140 = arith.constant 0 : i32
    %dma_start3A_141 = tpu.memref_slice %arg6[%dma_start3A_139, %dma_start3A_140] : memref<100000x128xf32, #tpu.memory_space<hbm>> -> memref<100000x128xf32, #tpu.memory_space<hbm>>
    tpu.enqueue_indirect_dma source(%dma_start3A_141 : memref<100000x128xf32, #tpu.memory_space<hbm>>) target(%dma_start3A_135 : memref<128x128xf32, #tpu.memory_space<vmem>>) offsets(%dma_start3A_138 : memref<128xi32, #tpu.memory_space<vmem>>) semaphore(%arg16 : memref<!tpu.dma_semaphore, #tpu.memory_space<semaphore_mem>>)
    %dma_start3A_142 = arith.constant 0 : i32
    %dma_start3A_143 = arith.constant 1 : i32
    %dma_start3A_144 = arith.constant 1 : i32
    %dma_start3A_145 = arith.constant 0 : i32
    %dma_start3A_146 = arith.constant 0 : i32
    %dma_start3A_147 = tpu.memref_slice %arg10[%dma_start3A_144, %dma_start3A_145, %dma_start3A_146] : memref<2x128x128xf32, #tpu.memory_space<vmem>> -> memref<1x128x128xf32, #tpu.memory_space<vmem>>
    %dma_start3A_148 = tpu.memref_squeeze %dma_start3A_147 : memref<1x128x128xf32, #tpu.memory_space<vmem>> -> memref<128x128xf32, #tpu.memory_space<vmem>>
    %dma_start3A_149 = arith.constant 0 : i32
    %dma_start3A_150 = tpu.memref_slice %arg9[%dma_start3A_142, %dma_start3A_143, %dma_start3A_149] : memref<3x4x128xi32, #tpu.memory_space<vmem>> -> memref<1x1x128xi32, #tpu.memory_space<vmem>>
    %dma_start3A_151 = tpu.memref_squeeze %dma_start3A_150 : memref<1x1x128xi32, #tpu.memory_space<vmem>> -> memref<128xi32, #tpu.memory_space<vmem>>
    %dma_start3A_152 = arith.constant 0 : i32
    %dma_start3A_153 = arith.constant 0 : i32
    %dma_start3A_154 = tpu.memref_slice %arg5[%dma_start3A_152, %dma_start3A_153] : memref<100000x128xf32, #tpu.memory_space<hbm>> -> memref<100000x128xf32, #tpu.memory_space<hbm>>
    tpu.enqueue_indirect_dma source(%dma_start3A_154 : memref<100000x128xf32, #tpu.memory_space<hbm>>) target(%dma_start3A_148 : memref<128x128xf32, #tpu.memory_space<vmem>>) offsets(%dma_start3A_151 : memref<128xi32, #tpu.memory_space<vmem>>) semaphore(%arg17 : memref<!tpu.dma_semaphore, #tpu.memory_space<semaphore_mem>>)
    %dma_start3A_155 = arith.constant 1 : i32
    %dma_start3A_156 = arith.constant 1 : i32
    %dma_start3A_157 = arith.constant 1 : i32
    %dma_start3A_158 = arith.constant 0 : i32
    %dma_start3A_159 = arith.constant 0 : i32
    %dma_start3A_160 = tpu.memref_slice %arg11[%dma_start3A_157, %dma_start3A_158, %dma_start3A_159] : memref<2x128x128xf32, #tpu.memory_space<vmem>> -> memref<1x128x128xf32, #tpu.memory_space<vmem>>
    %dma_start3A_161 = tpu.memref_squeeze %dma_start3A_160 : memref<1x128x128xf32, #tpu.memory_space<vmem>> -> memref<128x128xf32, #tpu.memory_space<vmem>>
    %dma_start3A_162 = arith.constant 0 : i32
    %dma_start3A_163 = tpu.memref_slice %arg9[%dma_start3A_155, %dma_start3A_156, %dma_start3A_162] : memref<3x4x128xi32, #tpu.memory_space<vmem>> -> memref<1x1x128xi32, #tpu.memory_space<vmem>>
    %dma_start3A_164 = tpu.memref_squeeze %dma_start3A_163 : memref<1x1x128xi32, #tpu.memory_space<vmem>> -> memref<128xi32, #tpu.memory_space<vmem>>
    %dma_start3A_165 = arith.constant 0 : i32
    %dma_start3A_166 = arith.constant 0 : i32
    %dma_start3A_167 = tpu.memref_slice %arg5[%dma_start3A_165, %dma_start3A_166] : memref<100000x128xf32, #tpu.memory_space<hbm>> -> memref<100000x128xf32, #tpu.memory_space<hbm>>
    tpu.enqueue_indirect_dma source(%dma_start3A_167 : memref<100000x128xf32, #tpu.memory_space<hbm>>) target(%dma_start3A_161 : memref<128x128xf32, #tpu.memory_space<vmem>>) offsets(%dma_start3A_164 : memref<128xi32, #tpu.memory_space<vmem>>) semaphore(%arg17 : memref<!tpu.dma_semaphore, #tpu.memory_space<semaphore_mem>>)
    %dma_start3A_168 = arith.constant 2 : i32
    %dma_start3A_169 = arith.constant 1 : i32
    %dma_start3A_170 = arith.constant 1 : i32
    %dma_start3A_171 = arith.constant 0 : i32
    %dma_start3A_172 = arith.constant 0 : i32
    %dma_start3A_173 = tpu.memref_slice %arg12[%dma_start3A_170, %dma_start3A_171, %dma_start3A_172] : memref<2x128x128xf32, #tpu.memory_space<vmem>> -> memref<1x128x128xf32, #tpu.memory_space<vmem>>
    %dma_start3A_174 = tpu.memref_squeeze %dma_start3A_173 : memref<1x128x128xf32, #tpu.memory_space<vmem>> -> memref<128x128xf32, #tpu.memory_space<vmem>>
    %dma_start3A_175 = arith.constant 0 : i32
    %dma_start3A_176 = tpu.memref_slice %arg9[%dma_start3A_168, %dma_start3A_169, %dma_start3A_175] : memref<3x4x128xi32, #tpu.memory_space<vmem>> -> memref<1x1x128xi32, #tpu.memory_space<vmem>>
    %dma_start3A_177 = tpu.memref_squeeze %dma_start3A_176 : memref<1x1x128xi32, #tpu.memory_space<vmem>> -> memref<128xi32, #tpu.memory_space<vmem>>
    %dma_start3A_178 = arith.constant 0 : i32
    %dma_start3A_179 = arith.constant 0 : i32
    %dma_start3A_180 = tpu.memref_slice %arg6[%dma_start3A_178, %dma_start3A_179] : memref<100000x128xf32, #tpu.memory_space<hbm>> -> memref<100000x128xf32, #tpu.memory_space<hbm>>
    tpu.enqueue_indirect_dma source(%dma_start3A_180 : memref<100000x128xf32, #tpu.memory_space<hbm>>) target(%dma_start3A_174 : memref<128x128xf32, #tpu.memory_space<vmem>>) offsets(%dma_start3A_177 : memref<128xi32, #tpu.memory_space<vmem>>) semaphore(%arg17 : memref<!tpu.dma_semaphore, #tpu.memory_space<semaphore_mem>>)
    tpu.wait_dma2 semaphore(%arg19 : memref<!tpu.dma_semaphore, #tpu.memory_space<semaphore_mem>>) src(%arg7 : memref<400xf32, #tpu.memory_space<hbm>>) dst(%arg13 : memref<400xf32, #tpu.memory_space<vmem>>)
    %get3A = arith.constant 0 : index
    %get3A_181 = tpu.vector_load %arg13[%get3A] {strides = array<i32>} : memref<400xf32, #tpu.memory_space<vmem>>, vector<16xf32>,
    %get3A_182 = arith.constant 16 : index
    %get3A_183 = tpu.vector_load %arg13[%get3A_182] {strides = array<i32>} : memref<400xf32, #tpu.memory_space<vmem>>, vector<16xf32>,
    %get3A_184 = arith.constant 32 : index
    %get3A_185 = tpu.vector_load %arg13[%get3A_184] {strides = array<i32>} : memref<400xf32, #tpu.memory_space<vmem>>, vector<16xf32>,
    %get3A_186 = arith.constant 48 : index
    %get3A_187 = tpu.vector_load %arg13[%get3A_186] {strides = array<i32>} : memref<400xf32, #tpu.memory_space<vmem>>, vector<16xf32>,
    %get3A_188 = arith.constant 64 : index
    %get3A_189 = tpu.vector_load %arg13[%get3A_188] {strides = array<i32>} : memref<400xf32, #tpu.memory_space<vmem>>, vector<16xf32>,
    %get3A_190 = arith.constant 80 : index
    %get3A_191 = tpu.vector_load %arg13[%get3A_190] {strides = array<i32>} : memref<400xf32, #tpu.memory_space<vmem>>, vector<16xf32>,
    %get3A_192 = arith.constant 96 : index
    %get3A_193 = tpu.vector_load %arg13[%get3A_192] {strides = array<i32>} : memref<400xf32, #tpu.memory_space<vmem>>, vector<16xf32>,
    %get3A_194 = arith.constant 112 : index
    %get3A_195 = tpu.vector_load %arg13[%get3A_194] {strides = array<i32>} : memref<400xf32, #tpu.memory_space<vmem>>, vector<16xf32>,
    %get3A_196 = arith.constant 128 : index
    %get3A_197 = tpu.vector_load %arg13[%get3A_196] {strides = array<i32>} : memref<400xf32, #tpu.memory_space<vmem>>, vector<16xf32>,
    %get3A_198 = arith.constant 144 : index
    %get3A_199 = tpu.vector_load %arg13[%get3A_198] {strides = array<i32>} : memref<400xf32, #tpu.memory_space<vmem>>, vector<16xf32>,
    %get3A_200 = arith.constant 160 : index
    %get3A_201 = tpu.vector_load %arg13[%get3A_200] {strides = array<i32>} : memref<400xf32, #tpu.memory_space<vmem>>, vector<16xf32>,
    %get3A_202 = arith.constant 176 : index
    %get3A_203 = tpu.vector_load %arg13[%get3A_202] {strides = array<i32>} : memref<400xf32, #tpu.memory_space<vmem>>, vector<16xf32>,
    %get3A_204 = arith.constant 192 : index
    %get3A_205 = tpu.vector_load %arg13[%get3A_204] {strides = array<i32>} : memref<400xf32, #tpu.memory_space<vmem>>, vector<16xf32>,
    %get3A_206 = arith.constant 208 : index
    %get3A_207 = tpu.vector_load %arg13[%get3A_206] {strides = array<i32>} : memref<400xf32, #tpu.memory_space<vmem>>, vector<16xf32>,
    %get3A_208 = arith.constant 224 : index
    %get3A_209 = tpu.vector_load %arg13[%get3A_208] {strides = array<i32>} : memref<400xf32, #tpu.memory_space<vmem>>, vector<16xf32>,
    %get3A_210 = arith.constant 240 : index
    %get3A_211 = tpu.vector_load %arg13[%get3A_210] {strides = array<i32>} : memref<400xf32, #tpu.memory_space<vmem>>, vector<16xf32>,
    %get3A_212 = arith.constant 256 : index
    %get3A_213 = tpu.vector_load %arg13[%get3A_212] {strides = array<i32>} : memref<400xf32, #tpu.memory_space<vmem>>, vector<16xf32>,
    %get3A_214 = arith.constant 272 : index
    %get3A_215 = tpu.vector_load %arg13[%get3A_214] {strides = array<i32>} : memref<400xf32, #tpu.memory_space<vmem>>, vector<16xf32>,
    %get3A_216 = arith.constant 288 : index
    %get3A_217 = tpu.vector_load %arg13[%get3A_216] {strides = array<i32>} : memref<400xf32, #tpu.memory_space<vmem>>, vector<16xf32>,
    %get3A_218 = arith.constant 304 : index
    %get3A_219 = tpu.vector_load %arg13[%get3A_218] {strides = array<i32>} : memref<400xf32, #tpu.memory_space<vmem>>, vector<16xf32>,
    %get3A_220 = arith.constant 320 : index
    %get3A_221 = tpu.vector_load %arg13[%get3A_220] {strides = array<i32>} : memref<400xf32, #tpu.memory_space<vmem>>, vector<16xf32>,
    %get3A_222 = arith.constant 336 : index
    %get3A_223 = tpu.vector_load %arg13[%get3A_222] {strides = array<i32>} : memref<400xf32, #tpu.memory_space<vmem>>, vector<16xf32>,
    %get3A_224 = arith.constant 352 : index
    %get3A_225 = tpu.vector_load %arg13[%get3A_224] {strides = array<i32>} : memref<400xf32, #tpu.memory_space<vmem>>, vector<16xf32>,
    %get3A_226 = arith.constant 368 : index
    %get3A_227 = tpu.vector_load %arg13[%get3A_226] {strides = array<i32>} : memref<400xf32, #tpu.memory_space<vmem>>, vector<16xf32>,
    %get3A_228 = arith.constant 384 : index
    %get3A_229 = tpu.vector_load %arg13[%get3A_228] {strides = array<i32>} : memref<400xf32, #tpu.memory_space<vmem>>, vector<16xf32>,
    %iota3A = tpu.iota {dimensions = array<i32: 0>} : vector<16xi32>
    %mul3A_230 = arith.constant 128 : i32
    %mul3A_231 = vector.broadcast %mul3A_230 : i32 to vector<16xi32>
    %mul3A_232 = arith.muli %iota3A, %mul3A_231 : vector<16xi32>
    %dma_wait3A_233 = arith.constant 0 : i32
    %dma_wait3A_234 = arith.constant 0 : i32
    %dma_wait3A_235 = arith.constant 0 : i32
    %dma_wait3A_236 = arith.constant 0 : i32
    %dma_wait3A_237 = arith.constant 0 : i32
    %dma_wait3A_238 = tpu.memref_slice %arg10[%dma_wait3A_235, %dma_wait3A_236, %dma_wait3A_237] : memref<2x128x128xf32, #tpu.memory_space<vmem>> -> memref<1x128x128xf32, #tpu.memory_space<vmem>>
    %dma_wait3A_239 = tpu.memref_squeeze %dma_wait3A_238 : memref<1x128x128xf32, #tpu.memory_space<vmem>> -> memref<128x128xf32, #tpu.memory_space<vmem>>
    %dma_wait3A_240 = arith.constant 0 : i32
    %dma_wait3A_241 = tpu.memref_slice %arg9[%dma_wait3A_233, %dma_wait3A_234, %dma_wait3A_240] : memref<3x4x128xi32, #tpu.memory_space<vmem>> -> memref<1x1x128xi32, #tpu.memory_space<vmem>>
    %dma_wait3A_242 = tpu.memref_squeeze %dma_wait3A_241 : memref<1x1x128xi32, #tpu.memory_space<vmem>> -> memref<128xi32, #tpu.memory_space<vmem>>
    %dma_wait3A_243 = arith.constant 0 : i32
    %dma_wait3A_244 = arith.constant 0 : i32
    %dma_wait3A_245 = tpu.memref_slice %arg5[%dma_wait3A_243, %dma_wait3A_244] : memref<100000x128xf32, #tpu.memory_space<hbm>> -> memref<100000x128xf32, #tpu.memory_space<hbm>>
    tpu.wait_indirect_dma semaphore(%arg16 : memref<!tpu.dma_semaphore, #tpu.memory_space<semaphore_mem>>) src(%dma_wait3A_245 : memref<100000x128xf32, #tpu.memory_space<hbm>>) dst(%dma_wait3A_239 : memref<128x128xf32, #tpu.memory_space<vmem>>)
    %dma_wait3A_246 = arith.constant 1 : i32
    %dma_wait3A_247 = arith.constant 0 : i32
    %dma_wait3A_248 = arith.constant 0 : i32
    %dma_wait3A_249 = arith.constant 0 : i32
    %dma_wait3A_250 = arith.constant 0 : i32
    %dma_wait3A_251 = tpu.memref_slice %arg11[%dma_wait3A_248, %dma_wait3A_249, %dma_wait3A_250] : memref<2x128x128xf32, #tpu.memory_space<vmem>> -> memref<1x128x128xf32, #tpu.memory_space<vmem>>
    %dma_wait3A_252 = tpu.memref_squeeze %dma_wait3A_251 : memref<1x128x128xf32, #tpu.memory_space<vmem>> -> memref<128x128xf32, #tpu.memory_space<vmem>>
    %dma_wait3A_253 = arith.constant 0 : i32
    %dma_wait3A_254 = tpu.memref_slice %arg9[%dma_wait3A_246, %dma_wait3A_247, %dma_wait3A_253] : memref<3x4x128xi32, #tpu.memory_space<vmem>> -> memref<1x1x128xi32, #tpu.memory_space<vmem>>
    %dma_wait3A_255 = tpu.memref_squeeze %dma_wait3A_254 : memref<1x1x128xi32, #tpu.memory_space<vmem>> -> memref<128xi32, #tpu.memory_space<vmem>>
    %dma_wait3A_256 = arith.constant 0 : i32
    %dma_wait3A_257 = arith.constant 0 : i32
    %dma_wait3A_258 = tpu.memref_slice %arg5[%dma_wait3A_256, %dma_wait3A_257] : memref<100000x128xf32, #tpu.memory_space<hbm>> -> memref<100000x128xf32, #tpu.memory_space<hbm>>
    tpu.wait_indirect_dma semaphore(%arg16 : memref<!tpu.dma_semaphore, #tpu.memory_space<semaphore_mem>>) src(%dma_wait3A_258 : memref<100000x128xf32, #tpu.memory_space<hbm>>) dst(%dma_wait3A_252 : memref<128x128xf32, #tpu.memory_space<vmem>>)
    %dma_wait3A_259 = arith.constant 2 : i32
    %dma_wait3A_260 = arith.constant 0 : i32
    %dma_wait3A_261 = arith.constant 0 : i32
    %dma_wait3A_262 = arith.constant 0 : i32
    %dma_wait3A_263 = arith.constant 0 : i32
    %dma_wait3A_264 = tpu.memref_slice %arg12[%dma_wait3A_261, %dma_wait3A_262, %dma_wait3A_263] : memref<2x128x128xf32, #tpu.memory_space<vmem>> -> memref<1x128x128xf32, #tpu.memory_space<vmem>>
    %dma_wait3A_265 = tpu.memref_squeeze %dma_wait3A_264 : memref<1x128x128xf32, #tpu.memory_space<vmem>> -> memref<128x128xf32, #tpu.memory_space<vmem>>
    %dma_wait3A_266 = arith.constant 0 : i32
    %dma_wait3A_267 = tpu.memref_slice %arg9[%dma_wait3A_259, %dma_wait3A_260, %dma_wait3A_266] : memref<3x4x128xi32, #tpu.memory_space<vmem>> -> memref<1x1x128xi32, #tpu.memory_space<vmem>>
    %dma_wait3A_268 = tpu.memref_squeeze %dma_wait3A_267 : memref<1x1x128xi32, #tpu.memory_space<vmem>> -> memref<128xi32, #tpu.memory_space<vmem>>
    %dma_wait3A_269 = arith.constant 0 : i32
    %dma_wait3A_270 = arith.constant 0 : i32
    %dma_wait3A_271 = tpu.memref_slice %arg6[%dma_wait3A_269, %dma_wait3A_270] : memref<100000x128xf32, #tpu.memory_space<hbm>> -> memref<100000x128xf32, #tpu.memory_space<hbm>>
    tpu.wait_indirect_dma semaphore(%arg16 : memref<!tpu.dma_semaphore, #tpu.memory_space<semaphore_mem>>) src(%dma_wait3A_271 : memref<100000x128xf32, #tpu.memory_space<hbm>>) dst(%dma_wait3A_265 : memref<128x128xf32, #tpu.memory_space<vmem>>)
    %get3A_272 = arith.constant 0 : i32
    %get3A_273 = arith.constant 0 : i32
    %get3A_274 = arith.index_cast %get3A_272 : i32 to index
    %get3A_275 = arith.index_cast %get3A_273 : i32 to index
    %get3A_276 = arith.constant 0 : index
    %get3A_277 = tpu.vector_load %arg10[%get3A_274, %get3A_275, %get3A_276] {strides = array<i32>} : memref<2x128x128xf32, #tpu.memory_space<vmem>>, vector<16xf32>,
    %add3A_278 = arith.addf %get3A_277, %get3A_229 : vector<16xf32>
    %swap3A = arith.constant 0 : index
    %swap3A_279 = tpu.vector_load %arg14[%swap3A] {strides = array<i32>} : memref<512xf32, #tpu.memory_space<vmem>>, vector<16xf32>,
    tpu.vector_store %arg14[%swap3A], %add3A_278 {strides = array<i32>} : memref<512xf32, #tpu.memory_space<vmem>>, vector<16xf32>,
    %get3A_280 = arith.constant 0 : i32
    %get3A_281 = arith.constant 0 : i32
    %get3A_282 = arith.index_cast %get3A_280 : i32 to index
    %get3A_283 = arith.index_cast %get3A_281 : i32 to index
    %get3A_284 = arith.constant 0 : index
    %get3A_285 = tpu.vector_load %arg10[%get3A_282, %get3A_283, %get3A_284] {strides = array<i32>} : memref<2x128x128xf32, #tpu.memory_space<vmem>>, vector<16xf32>,
    %add3A_286 = arith.addf %get3A_285, %get3A_229 : vector<16xf32>
    %swap3A_287 = arith.constant 16 : index
    %swap3A_288 = tpu.vector_load %arg14[%swap3A_287] {strides = array<i32>} : memref<512xf32, #tpu.memory_space<vmem>>, vector<16xf32>,
    tpu.vector_store %arg14[%swap3A_287], %add3A_286 {strides = array<i32>} : memref<512xf32, #tpu.memory_space<vmem>>, vector<16xf32>,
    %get3A_289 = arith.constant 0 : i32
    %get3A_290 = arith.constant 0 : i32
    %get3A_291 = arith.index_cast %get3A_289 : i32 to index
    %get3A_292 = arith.index_cast %get3A_290 : i32 to index
    %get3A_293 = arith.constant 0 : index
    %get3A_294 = tpu.vector_load %arg10[%get3A_291, %get3A_292, %get3A_293] {strides = array<i32>} : memref<2x128x128xf32, #tpu.memory_space<vmem>>, vector<16xf32>,
    %add3A_295 = arith.addf %get3A_294, %get3A_229 : vector<16xf32>
    %swap3A_296 = arith.constant 32 : index
    %swap3A_297 = tpu.vector_load %arg14[%swap3A_296] {strides = array<i32>} : memref<512xf32, #tpu.memory_space<vmem>>, vector<16xf32>,
    tpu.vector_store %arg14[%swap3A_296], %add3A_295 {strides = array<i32>} : memref<512xf32, #tpu.memory_space<vmem>>, vector<16xf32>,
    %get3A_298 = arith.constant 0 : i32
    %get3A_299 = arith.constant 0 : i32
    %get3A_300 = arith.index_cast %get3A_298 : i32 to index
    %get3A_301 = arith.index_cast %get3A_299 : i32 to index
    %get3A_302 = arith.constant 0 : index
    %get3A_303 = tpu.vector_load %arg10[%get3A_300, %get3A_301, %get3A_302] {strides = array<i32>} : memref<2x128x128xf32, #tpu.memory_space<vmem>>, vector<16xf32>,
    %add3A_304 = arith.addf %get3A_303, %get3A_229 : vector<16xf32>
    %swap3A_305 = arith.constant 48 : index
    %swap3A_306 = tpu.vector_load %arg14[%swap3A_305] {strides = array<i32>} : memref<512xf32, #tpu.memory_space<vmem>>, vector<16xf32>,
    tpu.vector_store %arg14[%swap3A_305], %add3A_304 {strides = array<i32>} : memref<512xf32, #tpu.memory_space<vmem>>, vector<16xf32>,
    %get3A_307 = arith.constant 0 : i32
    %get3A_308 = arith.constant 0 : i32
    %get3A_309 = arith.index_cast %get3A_307 : i32 to index
    %get3A_310 = arith.index_cast %get3A_308 : i32 to index
    %get3A_311 = arith.constant 0 : index
    %get3A_312 = tpu.vector_load %arg10[%get3A_309, %get3A_310, %get3A_311] {strides = array<i32>} : memref<2x128x128xf32, #tpu.memory_space<vmem>>, vector<16xf32>,
    %add3A_313 = arith.addf %get3A_312, %get3A_229 : vector<16xf32>
    %swap3A_314 = arith.constant 64 : index
    %swap3A_315 = tpu.vector_load %arg14[%swap3A_314] {strides = array<i32>} : memref<512xf32, #tpu.memory_space<vmem>>, vector<16xf32>,
    tpu.vector_store %arg14[%swap3A_314], %add3A_313 {strides = array<i32>} : memref<512xf32, #tpu.memory_space<vmem>>, vector<16xf32>,
    %get3A_316 = arith.constant 0 : i32
    %get3A_317 = arith.constant 0 : i32
    %get3A_318 = arith.index_cast %get3A_316 : i32 to index
    %get3A_319 = arith.index_cast %get3A_317 : i32 to index
    %get3A_320 = arith.constant 0 : index
    %get3A_321 = tpu.vector_load %arg10[%get3A_318, %get3A_319, %get3A_320] {strides = array<i32>} : memref<2x128x128xf32, #tpu.memory_space<vmem>>, vector<16xf32>,
    %add3A_322 = arith.addf %get3A_321, %get3A_229 : vector<16xf32>
    %swap3A_323 = arith.constant 80 : index
    %swap3A_324 = tpu.vector_load %arg14[%swap3A_323] {strides = array<i32>} : memref<512xf32, #tpu.memory_space<vmem>>, vector<16xf32>,
    tpu.vector_store %arg14[%swap3A_323], %add3A_322 {strides = array<i32>} : memref<512xf32, #tpu.memory_space<vmem>>, vector<16xf32>,
    %get3A_325 = arith.constant 0 : i32
    %get3A_326 = arith.constant 0 : i32
    %get3A_327 = arith.index_cast %get3A_325 : i32 to index
    %get3A_328 = arith.index_cast %get3A_326 : i32 to index
    %get3A_329 = arith.constant 0 : index
    %get3A_330 = tpu.vector_load %arg10[%get3A_327, %get3A_328, %get3A_329] {strides = array<i32>} : memref<2x128x128xf32, #tpu.memory_space<vmem>>, vector<16xf32>,
    %add3A_331 = arith.addf %get3A_330, %get3A_229 : vector<16xf32>
    %swap3A_332 = arith.constant 96 : index
    %swap3A_333 = tpu.vector_load %arg14[%swap3A_332] {strides = array<i32>} : memref<512xf32, #tpu.memory_space<vmem>>, vector<16xf32>,
    tpu.vector_store %arg14[%swap3A_332], %add3A_331 {strides = array<i32>} : memref<512xf32, #tpu.memory_space<vmem>>, vector<16xf32>,
    %get3A_334 = arith.constant 0 : i32
    %get3A_335 = arith.constant 0 : i32
    %get3A_336 = arith.index_cast %get3A_334 : i32 to index
    %get3A_337 = arith.index_cast %get3A_335 : i32 to index
    %get3A_338 = arith.constant 0 : index
    %get3A_339 = tpu.vector_load %arg10[%get3A_336, %get3A_337, %get3A_338] {strides = array<i32>} : memref<2x128x128xf32, #tpu.memory_space<vmem>>, vector<16xf32>,
    %add3A_340 = arith.addf %get3A_339, %get3A_229 : vector<16xf32>
    %swap3A_341 = arith.constant 112 : index
    %swap3A_342 = tpu.vector_load %arg14[%swap3A_341] {strides = array<i32>} : memref<512xf32, #tpu.memory_space<vmem>>, vector<16xf32>,
    tpu.vector_store %arg14[%swap3A_341], %add3A_340 {strides = array<i32>} : memref<512xf32, #tpu.memory_space<vmem>>, vector<16xf32>,
    %dma_start3A_343 = arith.constant 0 : i32
    %dma_start3A_344 = arith.constant 2 : i32
    %dma_start3A_345 = arith.constant 0 : i32
    %dma_start3A_346 = arith.constant 0 : i32
    %dma_start3A_347 = arith.constant 0 : i32
    %dma_start3A_348 = tpu.memref_slice %arg10[%dma_start3A_345, %dma_start3A_346, %dma_start3A_347] : memref<2x128x128xf32, #tpu.memory_space<vmem>> -> memref<1x128x128xf32, #tpu.memory_space<vmem>>
    %dma_start3A_349 = tpu.memref_squeeze %dma_start3A_348 : memref<1x128x128xf32, #tpu.memory_space<vmem>> -> memref<128x128xf32, #tpu.memory_space<vmem>>
    %dma_start3A_350 = arith.constant 0 : i32
    %dma_start3A_351 = tpu.memref_slice %arg9[%dma_start3A_343, %dma_start3A_344, %dma_start3A_350] : memref<3x4x128xi32, #tpu.memory_space<vmem>> -> memref<1x1x128xi32, #tpu.memory_space<vmem>>
    %dma_start3A_352 = tpu.memref_squeeze %dma_start3A_351 : memref<1x1x128xi32, #tpu.memory_space<vmem>> -> memref<128xi32, #tpu.memory_space<vmem>>
    %dma_start3A_353 = arith.constant 0 : i32
    %dma_start3A_354 = arith.constant 0 : i32
    %dma_start3A_355 = tpu.memref_slice %arg5[%dma_start3A_353, %dma_start3A_354] : memref<100000x128xf32, #tpu.memory_space<hbm>> -> memref<100000x128xf32, #tpu.memory_space<hbm>>
    tpu.enqueue_indirect_dma source(%dma_start3A_355 : memref<100000x128xf32, #tpu.memory_space<hbm>>) target(%dma_start3A_349 : memref<128x128xf32, #tpu.memory_space<vmem>>) offsets(%dma_start3A_352 : memref<128xi32, #tpu.memory_space<vmem>>) semaphore(%arg16 : memref<!tpu.dma_semaphore, #tpu.memory_space<semaphore_mem>>)
    %dma_start3A_356 = arith.constant 1 : i32
    %dma_start3A_357 = arith.constant 2 : i32
    %dma_start3A_358 = arith.constant 0 : i32
    %dma_start3A_359 = arith.constant 0 : i32
    %dma_start3A_360 = arith.constant 0 : i32
    %dma_start3A_361 = tpu.memref_slice %arg11[%dma_start3A_358, %dma_start3A_359, %dma_start3A_360] : memref<2x128x128xf32, #tpu.memory_space<vmem>> -> memref<1x128x128xf32, #tpu.memory_space<vmem>>
    %dma_start3A_362 = tpu.memref_squeeze %dma_start3A_361 : memref<1x128x128xf32, #tpu.memory_space<vmem>> -> memref<128x128xf32, #tpu.memory_space<vmem>>
    %dma_start3A_363 = arith.constant 0 : i32
    %dma_start3A_364 = tpu.memref_slice %arg9[%dma_start3A_356, %dma_start3A_357, %dma_start3A_363] : memref<3x4x128xi32, #tpu.memory_space<vmem>> -> memref<1x1x128xi32, #tpu.memory_space<vmem>>
    %dma_start3A_365 = tpu.memref_squeeze %dma_start3A_364 : memref<1x1x128xi32, #tpu.memory_space<vmem>> -> memref<128xi32, #tpu.memory_space<vmem>>
    %dma_start3A_366 = arith.constant 0 : i32
    %dma_start3A_367 = arith.constant 0 : i32
    %dma_start3A_368 = tpu.memref_slice %arg5[%dma_start3A_366, %dma_start3A_367] : memref<100000x128xf32, #tpu.memory_space<hbm>> -> memref<100000x128xf32, #tpu.memory_space<hbm>>
    tpu.enqueue_indirect_dma source(%dma_start3A_368 : memref<100000x128xf32, #tpu.memory_space<hbm>>) target(%dma_start3A_362 : memref<128x128xf32, #tpu.memory_space<vmem>>) offsets(%dma_start3A_365 : memref<128xi32, #tpu.memory_space<vmem>>) semaphore(%arg16 : memref<!tpu.dma_semaphore, #tpu.memory_space<semaphore_mem>>)
    %dma_start3A_369 = arith.constant 2 : i32
    %dma_start3A_370 = arith.constant 2 : i32
    %dma_start3A_371 = arith.constant 0 : i32
    %dma_start3A_372 = arith.constant 0 : i32
    %dma_start3A_373 = arith.constant 0 : i32
    %dma_start3A_374 = tpu.memref_slice %arg12[%dma_start3A_371, %dma_start3A_372, %dma_start3A_373] : memref<2x128x128xf32, #tpu.memory_space<vmem>> -> memref<1x128x128xf32, #tpu.memory_space<vmem>>
    %dma_start3A_375 = tpu.memref_squeeze %dma_start3A_374 : memref<1x128x128xf32, #tpu.memory_space<vmem>> -> memref<128x128xf32, #tpu.memory_space<vmem>>
    %dma_start3A_376 = arith.constant 0 : i32
    %dma_start3A_377 = tpu.memref_slice %arg9[%dma_start3A_369, %dma_start3A_370, %dma_start3A_376] : memref<3x4x128xi32, #tpu.memory_space<vmem>> -> memref<1x1x128xi32, #tpu.memory_space<vmem>>
    %dma_start3A_378 = tpu.memref_squeeze %dma_start3A_377 : memref<1x1x128xi32, #tpu.memory_space<vmem>> -> memref<128xi32, #tpu.memory_space<vmem>>
    %dma_start3A_379 = arith.constant 0 : i32
    %dma_start3A_380 = arith.constant 0 : i32
    %dma_start3A_381 = tpu.memref_slice %arg6[%dma_start3A_379, %dma_start3A_380] : memref<100000x128xf32, #tpu.memory_space<hbm>> -> memref<100000x128xf32, #tpu.memory_space<hbm>>
    tpu.enqueue_indirect_dma source(%dma_start3A_381 : memref<100000x128xf32, #tpu.memory_space<hbm>>) target(%dma_start3A_375 : memref<128x128xf32, #tpu.memory_space<vmem>>) offsets(%dma_start3A_378 : memref<128xi32, #tpu.memory_space<vmem>>) semaphore(%arg16 : memref<!tpu.dma_semaphore, #tpu.memory_space<semaphore_mem>>)
    %dma_wait3A_382 = arith.constant 0 : i32
    %dma_wait3A_383 = arith.constant 1 : i32
    %dma_wait3A_384 = arith.constant 1 : i32
    %dma_wait3A_385 = arith.constant 0 : i32
    %dma_wait3A_386 = arith.constant 0 : i32
    %dma_wait3A_387 = tpu.memref_slice %arg10[%dma_wait3A_384, %dma_wait3A_385, %dma_wait3A_386] : memref<2x128x128xf32, #tpu.memory_space<vmem>> -> memref<1x128x128xf32, #tpu.memory_space<vmem>>
    %dma_wait3A_388 = tpu.memref_squeeze %dma_wait3A_387 : memref<1x128x128xf32, #tpu.memory_space<vmem>> -> memref<128x128xf32, #tpu.memory_space<vmem>>
    %dma_wait3A_389 = arith.constant 0 : i32
    %dma_wait3A_390 = tpu.memref_slice %arg9[%dma_wait3A_382, %dma_wait3A_383, %dma_wait3A_389] : memref<3x4x128xi32, #tpu.memory_space<vmem>> -> memref<1x1x128xi32, #tpu.memory_space<vmem>>
    %dma_wait3A_391 = tpu.memref_squeeze %dma_wait3A_390 : memref<1x1x128xi32, #tpu.memory_space<vmem>> -> memref<128xi32, #tpu.memory_space<vmem>>
    %dma_wait3A_392 = arith.constant 0 : i32
    %dma_wait3A_393 = arith.constant 0 : i32
    %dma_wait3A_394 = tpu.memref_slice %arg5[%dma_wait3A_392, %dma_wait3A_393] : memref<100000x128xf32, #tpu.memory_space<hbm>> -> memref<100000x128xf32, #tpu.memory_space<hbm>>
    tpu.wait_indirect_dma semaphore(%arg17 : memref<!tpu.dma_semaphore, #tpu.memory_space<semaphore_mem>>) src(%dma_wait3A_394 : memref<100000x128xf32, #tpu.memory_space<hbm>>) dst(%dma_wait3A_388 : memref<128x128xf32, #tpu.memory_space<vmem>>)
    %dma_wait3A_395 = arith.constant 1 : i32
    %dma_wait3A_396 = arith.constant 1 : i32
    %dma_wait3A_397 = arith.constant 1 : i32
    %dma_wait3A_398 = arith.constant 0 : i32
    %dma_wait3A_399 = arith.constant 0 : i32
    %dma_wait3A_400 = tpu.memref_slice %arg11[%dma_wait3A_397, %dma_wait3A_398, %dma_wait3A_399] : memref<2x128x128xf32, #tpu.memory_space<vmem>> -> memref<1x128x128xf32, #tpu.memory_space<vmem>>
    %dma_wait3A_401 = tpu.memref_squeeze %dma_wait3A_400 : memref<1x128x128xf32, #tpu.memory_space<vmem>> -> memref<128x128xf32, #tpu.memory_space<vmem>>
    %dma_wait3A_402 = arith.constant 0 : i32
    %dma_wait3A_403 = tpu.memref_slice %arg9[%dma_wait3A_395, %dma_wait3A_396, %dma_wait3A_402] : memref<3x4x128xi32, #tpu.memory_space<vmem>> -> memref<1x1x128xi32, #tpu.memory_space<vmem>>
    %dma_wait3A_404 = tpu.memref_squeeze %dma_wait3A_403 : memref<1x1x128xi32, #tpu.memory_space<vmem>> -> memref<128xi32, #tpu.memory_space<vmem>>
    %dma_wait3A_405 = arith.constant 0 : i32
    %dma_wait3A_406 = arith.constant 0 : i32
    %dma_wait3A_407 = tpu.memref_slice %arg5[%dma_wait3A_405, %dma_wait3A_406] : memref<100000x128xf32, #tpu.memory_space<hbm>> -> memref<100000x128xf32, #tpu.memory_space<hbm>>
    tpu.wait_indirect_dma semaphore(%arg17 : memref<!tpu.dma_semaphore, #tpu.memory_space<semaphore_mem>>) src(%dma_wait3A_407 : memref<100000x128xf32, #tpu.memory_space<hbm>>) dst(%dma_wait3A_401 : memref<128x128xf32, #tpu.memory_space<vmem>>)
    %dma_wait3A_408 = arith.constant 2 : i32
    %dma_wait3A_409 = arith.constant 1 : i32
    %dma_wait3A_410 = arith.constant 1 : i32
    %dma_wait3A_411 = arith.constant 0 : i32
    %dma_wait3A_412 = arith.constant 0 : i32
    %dma_wait3A_413 = tpu.memref_slice %arg12[%dma_wait3A_410, %dma_wait3A_411, %dma_wait3A_412] : memref<2x128x128xf32, #tpu.memory_space<vmem>> -> memref<1x128x128xf32, #tpu.memory_space<vmem>>
    %dma_wait3A_414 = tpu.memref_squeeze %dma_wait3A_413 : memref<1x128x128xf32, #tpu.memory_space<vmem>> -> memref<128x128xf32, #tpu.memory_space<vmem>>
    %dma_wait3A_415 = arith.constant 0 : i32
    %dma_wait3A_416 = tpu.memref_slice %arg9[%dma_wait3A_408, %dma_wait3A_409, %dma_wait3A_415] : memref<3x4x128xi32, #tpu.memory_space<vmem>> -> memref<1x1x128xi32, #tpu.memory_space<vmem>>
    %dma_wait3A_417 = tpu.memref_squeeze %dma_wait3A_416 : memref<1x1x128xi32, #tpu.memory_space<vmem>> -> memref<128xi32, #tpu.memory_space<vmem>>
    %dma_wait3A_418 = arith.constant 0 : i32
    %dma_wait3A_419 = arith.constant 0 : i32
    %dma_wait3A_420 = tpu.memref_slice %arg6[%dma_wait3A_418, %dma_wait3A_419] : memref<100000x128xf32, #tpu.memory_space<hbm>> -> memref<100000x128xf32, #tpu.memory_space<hbm>>
    tpu.wait_indirect_dma semaphore(%arg17 : memref<!tpu.dma_semaphore, #tpu.memory_space<semaphore_mem>>) src(%dma_wait3A_420 : memref<100000x128xf32, #tpu.memory_space<hbm>>) dst(%dma_wait3A_414 : memref<128x128xf32, #tpu.memory_space<vmem>>)
    %get3A_421 = arith.constant 1 : i32
    %get3A_422 = arith.constant 0 : i32
    %get3A_423 = arith.index_cast %get3A_421 : i32 to index
    %get3A_424 = arith.index_cast %get3A_422 : i32 to index
    %get3A_425 = arith.constant 0 : index
    %get3A_426 = tpu.vector_load %arg10[%get3A_423, %get3A_424, %get3A_425] {strides = array<i32>} : memref<2x128x128xf32, #tpu.memory_space<vmem>>, vector<16xf32>,
    %add3A_427 = arith.addf %get3A_426, %get3A_229 : vector<16xf32>
    %swap3A_428 = arith.constant 128 : index
    %swap3A_429 = tpu.vector_load %arg14[%swap3A_428] {strides = array<i32>} : memref<512xf32, #tpu.memory_space<vmem>>, vector<16xf32>,
    tpu.vector_store %arg14[%swap3A_428], %add3A_427 {strides = array<i32>} : memref<512xf32, #tpu.memory_space<vmem>>, vector<16xf32>,
    %get3A_430 = arith.constant 1 : i32
    %get3A_431 = arith.constant 0 : i32
    %get3A_432 = arith.index_cast %get3A_430 : i32 to index
    %get3A_433 = arith.index_cast %get3A_431 : i32 to index
    %get3A_434 = arith.constant 0 : index
    %get3A_435 = tpu.vector_load %arg10[%get3A_432, %get3A_433, %get3A_434] {strides = array<i32>} : memref<2x128x128xf32, #tpu.memory_space<vmem>>, vector<16xf32>,
    %add3A_436 = arith.addf %get3A_435, %get3A_229 : vector<16xf32>
    %swap3A_437 = arith.constant 144 : index
    %swap3A_438 = tpu.vector_load %arg14[%swap3A_437] {strides = array<i32>} : memref<512xf32, #tpu.memory_space<vmem>>, vector<16xf32>,
    tpu.vector_store %arg14[%swap3A_437], %add3A_436 {strides = array<i32>} : memref<512xf32, #tpu.memory_space<vmem>>, vector<16xf32>,
    %get3A_439 = arith.constant 1 : i32
    %get3A_440 = arith.constant 0 : i32
    %get3A_441 = arith.index_cast %get3A_439 : i32 to index
    %get3A_442 = arith.index_cast %get3A_440 : i32 to index
    %get3A_443 = arith.constant 0 : index
    %get3A_444 = tpu.vector_load %arg10[%get3A_441, %get3A_442, %get3A_443] {strides = array<i32>} : memref<2x128x128xf32, #tpu.memory_space<vmem>>, vector<16xf32>,
    %add3A_445 = arith.addf %get3A_444, %get3A_229 : vector<16xf32>
    %swap3A_446 = arith.constant 160 : index
    %swap3A_447 = tpu.vector_load %arg14[%swap3A_446] {strides = array<i32>} : memref<512xf32, #tpu.memory_space<vmem>>, vector<16xf32>,
    tpu.vector_store %arg14[%swap3A_446], %add3A_445 {strides = array<i32>} : memref<512xf32, #tpu.memory_space<vmem>>, vector<16xf32>,
    %get3A_448 = arith.constant 1 : i32
    %get3A_449 = arith.constant 0 : i32
    %get3A_450 = arith.index_cast %get3A_448 : i32 to index
    %get3A_451 = arith.index_cast %get3A_449 : i32 to index
    %get3A_452 = arith.constant 0 : index
    %get3A_453 = tpu.vector_load %arg10[%get3A_450, %get3A_451, %get3A_452] {strides = array<i32>} : memref<2x128x128xf32, #tpu.memory_space<vmem>>, vector<16xf32>,
    %add3A_454 = arith.addf %get3A_453, %get3A_229 : vector<16xf32>
    %swap3A_455 = arith.constant 176 : index
    %swap3A_456 = tpu.vector_load %arg14[%swap3A_455] {strides = array<i32>} : memref<512xf32, #tpu.memory_space<vmem>>, vector<16xf32>,
    tpu.vector_store %arg14[%swap3A_455], %add3A_454 {strides = array<i32>} : memref<512xf32, #tpu.memory_space<vmem>>, vector<16xf32>,
    %get3A_457 = arith.constant 1 : i32
    %get3A_458 = arith.constant 0 : i32
    %get3A_459 = arith.index_cast %get3A_457 : i32 to index
    %get3A_460 = arith.index_cast %get3A_458 : i32 to index
    %get3A_461 = arith.constant 0 : index
    %get3A_462 = tpu.vector_load %arg10[%get3A_459, %get3A_460, %get3A_461] {strides = array<i32>} : memref<2x128x128xf32, #tpu.memory_space<vmem>>, vector<16xf32>,
    %add3A_463 = arith.addf %get3A_462, %get3A_229 : vector<16xf32>
    %swap3A_464 = arith.constant 192 : index
    %swap3A_465 = tpu.vector_load %arg14[%swap3A_464] {strides = array<i32>} : memref<512xf32, #tpu.memory_space<vmem>>, vector<16xf32>,
    tpu.vector_store %arg14[%swap3A_464], %add3A_463 {strides = array<i32>} : memref<512xf32, #tpu.memory_space<vmem>>, vector<16xf32>,
    %get3A_466 = arith.constant 1 : i32
    %get3A_467 = arith.constant 0 : i32
    %get3A_468 = arith.index_cast %get3A_466 : i32 to index
    %get3A_469 = arith.index_cast %get3A_467 : i32 to index
    %get3A_470 = arith.constant 0 : index
    %get3A_471 = tpu.vector_load %arg10[%get3A_468, %get3A_469, %get3A_470] {strides = array<i32>} : memref<2x128x128xf32, #tpu.memory_space<vmem>>, vector<16xf32>,
    %add3A_472 = arith.addf %get3A_471, %get3A_229 : vector<16xf32>
    %swap3A_473 = arith.constant 208 : index
    %swap3A_474 = tpu.vector_load %arg14[%swap3A_473] {strides = array<i32>} : memref<512xf32, #tpu.memory_space<vmem>>, vector<16xf32>,
    tpu.vector_store %arg14[%swap3A_473], %add3A_472 {strides = array<i32>} : memref<512xf32, #tpu.memory_space<vmem>>, vector<16xf32>,
    %get3A_475 = arith.constant 1 : i32
    %get3A_476 = arith.constant 0 : i32
    %get3A_477 = arith.index_cast %get3A_475 : i32 to index
    %get3A_478 = arith.index_cast %get3A_476 : i32 to index
    %get3A_479 = arith.constant 0 : index
    %get3A_480 = tpu.vector_load %arg10[%get3A_477, %get3A_478, %get3A_479] {strides = array<i32>} : memref<2x128x128xf32, #tpu.memory_space<vmem>>, vector<16xf32>,
    %add3A_481 = arith.addf %get3A_480, %get3A_229 : vector<16xf32>
    %swap3A_482 = arith.constant 224 : index
    %swap3A_483 = tpu.vector_load %arg14[%swap3A_482] {strides = array<i32>} : memref<512xf32, #tpu.memory_space<vmem>>, vector<16xf32>,
    tpu.vector_store %arg14[%swap3A_482], %add3A_481 {strides = array<i32>} : memref<512xf32, #tpu.memory_space<vmem>>, vector<16xf32>,
    %get3A_484 = arith.constant 1 : i32
    %get3A_485 = arith.constant 0 : i32
    %get3A_486 = arith.index_cast %get3A_484 : i32 to index
    %get3A_487 = arith.index_cast %get3A_485 : i32 to index
    %get3A_488 = arith.constant 0 : index
    %get3A_489 = tpu.vector_load %arg10[%get3A_486, %get3A_487, %get3A_488] {strides = array<i32>} : memref<2x128x128xf32, #tpu.memory_space<vmem>>, vector<16xf32>,
    %add3A_490 = arith.addf %get3A_489, %get3A_229 : vector<16xf32>
    %swap3A_491 = arith.constant 240 : index
    %swap3A_492 = tpu.vector_load %arg14[%swap3A_491] {strides = array<i32>} : memref<512xf32, #tpu.memory_space<vmem>>, vector<16xf32>,
    tpu.vector_store %arg14[%swap3A_491], %add3A_490 {strides = array<i32>} : memref<512xf32, #tpu.memory_space<vmem>>, vector<16xf32>,
    %dma_start3A_493 = arith.constant 0 : i32
    %dma_start3A_494 = arith.constant 3 : i32
    %dma_start3A_495 = arith.constant 1 : i32
    %dma_start3A_496 = arith.constant 0 : i32
    %dma_start3A_497 = arith.constant 0 : i32
    %dma_start3A_498 = tpu.memref_slice %arg10[%dma_start3A_495, %dma_start3A_496, %dma_start3A_497] : memref<2x128x128xf32, #tpu.memory_space<vmem>> -> memref<1x128x128xf32, #tpu.memory_space<vmem>>
    %dma_start3A_499 = tpu.memref_squeeze %dma_start3A_498 : memref<1x128x128xf32, #tpu.memory_space<vmem>> -> memref<128x128xf32, #tpu.memory_space<vmem>>
    %dma_start3A_500 = arith.constant 0 : i32
    %dma_start3A_501 = tpu.memref_slice %arg9[%dma_start3A_493, %dma_start3A_494, %dma_start3A_500] : memref<3x4x128xi32, #tpu.memory_space<vmem>> -> memref<1x1x128xi32, #tpu.memory_space<vmem>>
    %dma_start3A_502 = tpu.memref_squeeze %dma_start3A_501 : memref<1x1x128xi32, #tpu.memory_space<vmem>> -> memref<128xi32, #tpu.memory_space<vmem>>
    %dma_start3A_503 = arith.constant 0 : i32
    %dma_start3A_504 = arith.constant 0 : i32
    %dma_start3A_505 = tpu.memref_slice %arg5[%dma_start3A_503, %dma_start3A_504] : memref<100000x128xf32, #tpu.memory_space<hbm>> -> memref<100000x128xf32, #tpu.memory_space<hbm>>
    tpu.enqueue_indirect_dma source(%dma_start3A_505 : memref<100000x128xf32, #tpu.memory_space<hbm>>) target(%dma_start3A_499 : memref<128x128xf32, #tpu.memory_space<vmem>>) offsets(%dma_start3A_502 : memref<128xi32, #tpu.memory_space<vmem>>) semaphore(%arg17 : memref<!tpu.dma_semaphore, #tpu.memory_space<semaphore_mem>>)
    %dma_start3A_506 = arith.constant 1 : i32
    %dma_start3A_507 = arith.constant 3 : i32
    %dma_start3A_508 = arith.constant 1 : i32
    %dma_start3A_509 = arith.constant 0 : i32
    %dma_start3A_510 = arith.constant 0 : i32
    %dma_start3A_511 = tpu.memref_slice %arg11[%dma_start3A_508, %dma_start3A_509, %dma_start3A_510] : memref<2x128x128xf32, #tpu.memory_space<vmem>> -> memref<1x128x128xf32, #tpu.memory_space<vmem>>
    %dma_start3A_512 = tpu.memref_squeeze %dma_start3A_511 : memref<1x128x128xf32, #tpu.memory_space<vmem>> -> memref<128x128xf32, #tpu.memory_space<vmem>>
    %dma_start3A_513 = arith.constant 0 : i32
    %dma_start3A_514 = tpu.memref_slice %arg9[%dma_start3A_506, %dma_start3A_507, %dma_start3A_513] : memref<3x4x128xi32, #tpu.memory_space<vmem>> -> memref<1x1x128xi32, #tpu.memory_space<vmem>>
    %dma_start3A_515 = tpu.memref_squeeze %dma_start3A_514 : memref<1x1x128xi32, #tpu.memory_space<vmem>> -> memref<128xi32, #tpu.memory_space<vmem>>
    %dma_start3A_516 = arith.constant 0 : i32
    %dma_start3A_517 = arith.constant 0 : i32
    %dma_start3A_518 = tpu.memref_slice %arg5[%dma_start3A_516, %dma_start3A_517] : memref<100000x128xf32, #tpu.memory_space<hbm>> -> memref<100000x128xf32, #tpu.memory_space<hbm>>
    tpu.enqueue_indirect_dma source(%dma_start3A_518 : memref<100000x128xf32, #tpu.memory_space<hbm>>) target(%dma_start3A_512 : memref<128x128xf32, #tpu.memory_space<vmem>>) offsets(%dma_start3A_515 : memref<128xi32, #tpu.memory_space<vmem>>) semaphore(%arg17 : memref<!tpu.dma_semaphore, #tpu.memory_space<semaphore_mem>>)
    %dma_start3A_519 = arith.constant 2 : i32
    %dma_start3A_520 = arith.constant 3 : i32
    %dma_start3A_521 = arith.constant 1 : i32
    %dma_start3A_522 = arith.constant 0 : i32
    %dma_start3A_523 = arith.constant 0 : i32
    %dma_start3A_524 = tpu.memref_slice %arg12[%dma_start3A_521, %dma_start3A_522, %dma_start3A_523] : memref<2x128x128xf32, #tpu.memory_space<vmem>> -> memref<1x128x128xf32, #tpu.memory_space<vmem>>
    %dma_start3A_525 = tpu.memref_squeeze %dma_start3A_524 : memref<1x128x128xf32, #tpu.memory_space<vmem>> -> memref<128x128xf32, #tpu.memory_space<vmem>>
    %dma_start3A_526 = arith.constant 0 : i32
    %dma_start3A_527 = tpu.memref_slice %arg9[%dma_start3A_519, %dma_start3A_520, %dma_start3A_526] : memref<3x4x128xi32, #tpu.memory_space<vmem>> -> memref<1x1x128xi32, #tpu.memory_space<vmem>>
    %dma_start3A_528 = tpu.memref_squeeze %dma_start3A_527 : memref<1x1x128xi32, #tpu.memory_space<vmem>> -> memref<128xi32, #tpu.memory_space<vmem>>
    %dma_start3A_529 = arith.constant 0 : i32
    %dma_start3A_530 = arith.constant 0 : i32
    %dma_start3A_531 = tpu.memref_slice %arg6[%dma_start3A_529, %dma_start3A_530] : memref<100000x128xf32, #tpu.memory_space<hbm>> -> memref<100000x128xf32, #tpu.memory_space<hbm>>
    tpu.enqueue_indirect_dma source(%dma_start3A_531 : memref<100000x128xf32, #tpu.memory_space<hbm>>) target(%dma_start3A_525 : memref<128x128xf32, #tpu.memory_space<vmem>>) offsets(%dma_start3A_528 : memref<128xi32, #tpu.memory_space<vmem>>) semaphore(%arg17 : memref<!tpu.dma_semaphore, #tpu.memory_space<semaphore_mem>>)
    %dma_wait3A_532 = arith.constant 0 : i32
    %dma_wait3A_533 = arith.constant 2 : i32
    %dma_wait3A_534 = arith.constant 0 : i32
    %dma_wait3A_535 = arith.constant 0 : i32
    %dma_wait3A_536 = arith.constant 0 : i32
    %dma_wait3A_537 = tpu.memref_slice %arg10[%dma_wait3A_534, %dma_wait3A_535, %dma_wait3A_536] : memref<2x128x128xf32, #tpu.memory_space<vmem>> -> memref<1x128x128xf32, #tpu.memory_space<vmem>>
    %dma_wait3A_538 = tpu.memref_squeeze %dma_wait3A_537 : memref<1x128x128xf32, #tpu.memory_space<vmem>> -> memref<128x128xf32, #tpu.memory_space<vmem>>
    %dma_wait3A_539 = arith.constant 0 : i32
    %dma_wait3A_540 = tpu.memref_slice %arg9[%dma_wait3A_532, %dma_wait3A_533, %dma_wait3A_539] : memref<3x4x128xi32, #tpu.memory_space<vmem>> -> memref<1x1x128xi32, #tpu.memory_space<vmem>>
    %dma_wait3A_541 = tpu.memref_squeeze %dma_wait3A_540 : memref<1x1x128xi32, #tpu.memory_space<vmem>> -> memref<128xi32, #tpu.memory_space<vmem>>
    %dma_wait3A_542 = arith.constant 0 : i32
    %dma_wait3A_543 = arith.constant 0 : i32
    %dma_wait3A_544 = tpu.memref_slice %arg5[%dma_wait3A_542, %dma_wait3A_543] : memref<100000x128xf32, #tpu.memory_space<hbm>> -> memref<100000x128xf32, #tpu.memory_space<hbm>>
    tpu.wait_indirect_dma semaphore(%arg16 : memref<!tpu.dma_semaphore, #tpu.memory_space<semaphore_mem>>) src(%dma_wait3A_544 : memref<100000x128xf32, #tpu.memory_space<hbm>>) dst(%dma_wait3A_538 : memref<128x128xf32, #tpu.memory_space<vmem>>)
    %dma_wait3A_545 = arith.constant 1 : i32
    %dma_wait3A_546 = arith.constant 2 : i32
    %dma_wait3A_547 = arith.constant 0 : i32
    %dma_wait3A_548 = arith.constant 0 : i32
    %dma_wait3A_549 = arith.constant 0 : i32
    %dma_wait3A_550 = tpu.memref_slice %arg11[%dma_wait3A_547, %dma_wait3A_548, %dma_wait3A_549] : memref<2x128x128xf32, #tpu.memory_space<vmem>> -> memref<1x128x128xf32, #tpu.memory_space<vmem>>
    %dma_wait3A_551 = tpu.memref_squeeze %dma_wait3A_550 : memref<1x128x128xf32, #tpu.memory_space<vmem>> -> memref<128x128xf32, #tpu.memory_space<vmem>>
    %dma_wait3A_552 = arith.constant 0 : i32
    %dma_wait3A_553 = tpu.memref_slice %arg9[%dma_wait3A_545, %dma_wait3A_546, %dma_wait3A_552] : memref<3x4x128xi32, #tpu.memory_space<vmem>> -> memref<1x1x128xi32, #tpu.memory_space<vmem>>
    %dma_wait3A_554 = tpu.memref_squeeze %dma_wait3A_553 : memref<1x1x128xi32, #tpu.memory_space<vmem>> -> memref<128xi32, #tpu.memory_space<vmem>>
    %dma_wait3A_555 = arith.constant 0 : i32
    %dma_wait3A_556 = arith.constant 0 : i32
    %dma_wait3A_557 = tpu.memref_slice %arg5[%dma_wait3A_555, %dma_wait3A_556] : memref<100000x128xf32, #tpu.memory_space<hbm>> -> memref<100000x128xf32, #tpu.memory_space<hbm>>
    tpu.wait_indirect_dma semaphore(%arg16 : memref<!tpu.dma_semaphore, #tpu.memory_space<semaphore_mem>>) src(%dma_wait3A_557 : memref<100000x128xf32, #tpu.memory_space<hbm>>) dst(%dma_wait3A_551 : memref<128x128xf32, #tpu.memory_space<vmem>>)
    %dma_wait3A_558 = arith.constant 2 : i32
    %dma_wait3A_559 = arith.constant 2 : i32
    %dma_wait3A_560 = arith.constant 0 : i32
    %dma_wait3A_561 = arith.constant 0 : i32
    %dma_wait3A_562 = arith.constant 0 : i32
    %dma_wait3A_563 = tpu.memref_slice %arg12[%dma_wait3A_560, %dma_wait3A_561, %dma_wait3A_562] : memref<2x128x128xf32, #tpu.memory_space<vmem>> -> memref<1x128x128xf32, #tpu.memory_space<vmem>>
    %dma_wait3A_564 = tpu.memref_squeeze %dma_wait3A_563 : memref<1x128x128xf32, #tpu.memory_space<vmem>> -> memref<128x128xf32, #tpu.memory_space<vmem>>
    %dma_wait3A_565 = arith.constant 0 : i32
    %dma_wait3A_566 = tpu.memref_slice %arg9[%dma_wait3A_558, %dma_wait3A_559, %dma_wait3A_565] : memref<3x4x128xi32, #tpu.memory_space<vmem>> -> memref<1x1x128xi32, #tpu.memory_space<vmem>>
    %dma_wait3A_567 = tpu.memref_squeeze %dma_wait3A_566 : memref<1x1x128xi32, #tpu.memory_space<vmem>> -> memref<128xi32, #tpu.memory_space<vmem>>
    %dma_wait3A_568 = arith.constant 0 : i32
    %dma_wait3A_569 = arith.constant 0 : i32
    %dma_wait3A_570 = tpu.memref_slice %arg6[%dma_wait3A_568, %dma_wait3A_569] : memref<100000x128xf32, #tpu.memory_space<hbm>> -> memref<100000x128xf32, #tpu.memory_space<hbm>>
    tpu.wait_indirect_dma semaphore(%arg16 : memref<!tpu.dma_semaphore, #tpu.memory_space<semaphore_mem>>) src(%dma_wait3A_570 : memref<100000x128xf32, #tpu.memory_space<hbm>>) dst(%dma_wait3A_564 : memref<128x128xf32, #tpu.memory_space<vmem>>)
    %get3A_571 = arith.constant 0 : i32
    %get3A_572 = arith.constant 0 : i32
    %get3A_573 = arith.index_cast %get3A_571 : i32 to index
    %get3A_574 = arith.index_cast %get3A_572 : i32 to index
    %get3A_575 = arith.constant 0 : index
    %get3A_576 = tpu.vector_load %arg10[%get3A_573, %get3A_574, %get3A_575] {strides = array<i32>} : memref<2x128x128xf32, #tpu.memory_space<vmem>>, vector<16xf32>,
    %add3A_577 = arith.addf %get3A_576, %get3A_229 : vector<16xf32>
    %swap3A_578 = arith.constant 256 : index
    %swap3A_579 = tpu.vector_load %arg14[%swap3A_578] {strides = array<i32>} : memref<512xf32, #tpu.memory_space<vmem>>, vector<16xf32>,
    tpu.vector_store %arg14[%swap3A_578], %add3A_577 {strides = array<i32>} : memref<512xf32, #tpu.memory_space<vmem>>, vector<16xf32>,
    %get3A_580 = arith.constant 0 : i32
    %get3A_581 = arith.constant 0 : i32
    %get3A_582 = arith.index_cast %get3A_580 : i32 to index
    %get3A_583 = arith.index_cast %get3A_581 : i32 to index
    %get3A_584 = arith.constant 0 : index
    %get3A_585 = tpu.vector_load %arg10[%get3A_582, %get3A_583, %get3A_584] {strides = array<i32>} : memref<2x128x128xf32, #tpu.memory_space<vmem>>, vector<16xf32>,
    %add3A_586 = arith.addf %get3A_585, %get3A_229 : vector<16xf32>
    %swap3A_587 = arith.constant 272 : index
    %swap3A_588 = tpu.vector_load %arg14[%swap3A_587] {strides = array<i32>} : memref<512xf32, #tpu.memory_space<vmem>>, vector<16xf32>,
    tpu.vector_store %arg14[%swap3A_587], %add3A_586 {strides = array<i32>} : memref<512xf32, #tpu.memory_space<vmem>>, vector<16xf32>,
    %get3A_589 = arith.constant 0 : i32
    %get3A_590 = arith.constant 0 : i32
    %get3A_591 = arith.index_cast %get3A_589 : i32 to index
    %get3A_592 = arith.index_cast %get3A_590 : i32 to index
    %get3A_593 = arith.constant 0 : index
    %get3A_594 = tpu.vector_load %arg10[%get3A_591, %get3A_592, %get3A_593] {strides = array<i32>} : memref<2x128x128xf32, #tpu.memory_space<vmem>>, vector<16xf32>,
    %add3A_595 = arith.addf %get3A_594, %get3A_229 : vector<16xf32>
    %swap3A_596 = arith.constant 288 : index
    %swap3A_597 = tpu.vector_load %arg14[%swap3A_596] {strides = array<i32>} : memref<512xf32, #tpu.memory_space<vmem>>, vector<16xf32>,
    tpu.vector_store %arg14[%swap3A_596], %add3A_595 {strides = array<i32>} : memref<512xf32, #tpu.memory_space<vmem>>, vector<16xf32>,
    %get3A_598 = arith.constant 0 : i32
    %get3A_599 = arith.constant 0 : i32
    %get3A_600 = arith.index_cast %get3A_598 : i32 to index
    %get3A_601 = arith.index_cast %get3A_599 : i32 to index
    %get3A_602 = arith.constant 0 : index
    %get3A_603 = tpu.vector_load %arg10[%get3A_600, %get3A_601, %get3A_602] {strides = array<i32>} : memref<2x128x128xf32, #tpu.memory_space<vmem>>, vector<16xf32>,
    %add3A_604 = arith.addf %get3A_603, %get3A_229 : vector<16xf32>
    %swap3A_605 = arith.constant 304 : index
    %swap3A_606 = tpu.vector_load %arg14[%swap3A_605] {strides = array<i32>} : memref<512xf32, #tpu.memory_space<vmem>>, vector<16xf32>,
    tpu.vector_store %arg14[%swap3A_605], %add3A_604 {strides = array<i32>} : memref<512xf32, #tpu.memory_space<vmem>>, vector<16xf32>,
    %get3A_607 = arith.constant 0 : i32
    %get3A_608 = arith.constant 0 : i32
    %get3A_609 = arith.index_cast %get3A_607 : i32 to index
    %get3A_610 = arith.index_cast %get3A_608 : i32 to index
    %get3A_611 = arith.constant 0 : index
    %get3A_612 = tpu.vector_load %arg10[%get3A_609, %get3A_610, %get3A_611] {strides = array<i32>} : memref<2x128x128xf32, #tpu.memory_space<vmem>>, vector<16xf32>,
    %add3A_613 = arith.addf %get3A_612, %get3A_229 : vector<16xf32>
    %swap3A_614 = arith.constant 320 : index
    %swap3A_615 = tpu.vector_load %arg14[%swap3A_614] {strides = array<i32>} : memref<512xf32, #tpu.memory_space<vmem>>, vector<16xf32>,
    tpu.vector_store %arg14[%swap3A_614], %add3A_613 {strides = array<i32>} : memref<512xf32, #tpu.memory_space<vmem>>, vector<16xf32>,
    %get3A_616 = arith.constant 0 : i32
    %get3A_617 = arith.constant 0 : i32
    %get3A_618 = arith.index_cast %get3A_616 : i32 to index
    %get3A_619 = arith.index_cast %get3A_617 : i32 to index
    %get3A_620 = arith.constant 0 : index
    %get3A_621 = tpu.vector_load %arg10[%get3A_618, %get3A_619, %get3A_620] {strides = array<i32>} : memref<2x128x128xf32, #tpu.memory_space<vmem>>, vector<16xf32>,
    %add3A_622 = arith.addf %get3A_621, %get3A_229 : vector<16xf32>
    %swap3A_623 = arith.constant 336 : index
    %swap3A_624 = tpu.vector_load %arg14[%swap3A_623] {strides = array<i32>} : memref<512xf32, #tpu.memory_space<vmem>>, vector<16xf32>,
    tpu.vector_store %arg14[%swap3A_623], %add3A_622 {strides = array<i32>} : memref<512xf32, #tpu.memory_space<vmem>>, vector<16xf32>,
    %get3A_625 = arith.constant 0 : i32
    %get3A_626 = arith.constant 0 : i32
    %get3A_627 = arith.index_cast %get3A_625 : i32 to index
    %get3A_628 = arith.index_cast %get3A_626 : i32 to index
    %get3A_629 = arith.constant 0 : index
    %get3A_630 = tpu.vector_load %arg10[%get3A_627, %get3A_628, %get3A_629] {strides = array<i32>} : memref<2x128x128xf32, #tpu.memory_space<vmem>>, vector<16xf32>,
    %add3A_631 = arith.addf %get3A_630, %get3A_229 : vector<16xf32>
    %swap3A_632 = arith.constant 352 : index
    %swap3A_633 = tpu.vector_load %arg14[%swap3A_632] {strides = array<i32>} : memref<512xf32, #tpu.memory_space<vmem>>, vector<16xf32>,
    tpu.vector_store %arg14[%swap3A_632], %add3A_631 {strides = array<i32>} : memref<512xf32, #tpu.memory_space<vmem>>, vector<16xf32>,
    %get3A_634 = arith.constant 0 : i32
    %get3A_635 = arith.constant 0 : i32
    %get3A_636 = arith.index_cast %get3A_634 : i32 to index
    %get3A_637 = arith.index_cast %get3A_635 : i32 to index
    %get3A_638 = arith.constant 0 : index
    %get3A_639 = tpu.vector_load %arg10[%get3A_636, %get3A_637, %get3A_638] {strides = array<i32>} : memref<2x128x128xf32, #tpu.memory_space<vmem>>, vector<16xf32>,
    %add3A_640 = arith.addf %get3A_639, %get3A_229 : vector<16xf32>
    %swap3A_641 = arith.constant 368 : index
    %swap3A_642 = tpu.vector_load %arg14[%swap3A_641] {strides = array<i32>} : memref<512xf32, #tpu.memory_space<vmem>>, vector<16xf32>,
    tpu.vector_store %arg14[%swap3A_641], %add3A_640 {strides = array<i32>} : memref<512xf32, #tpu.memory_space<vmem>>, vector<16xf32>,
    %dma_wait3A_643 = arith.constant 0 : i32
    %dma_wait3A_644 = arith.constant 3 : i32
    %dma_wait3A_645 = arith.constant 1 : i32
    %dma_wait3A_646 = arith.constant 0 : i32
    %dma_wait3A_647 = arith.constant 0 : i32
    %dma_wait3A_648 = tpu.memref_slice %arg10[%dma_wait3A_645, %dma_wait3A_646, %dma_wait3A_647] : memref<2x128x128xf32, #tpu.memory_space<vmem>> -> memref<1x128x128xf32, #tpu.memory_space<vmem>>
    %dma_wait3A_649 = tpu.memref_squeeze %dma_wait3A_648 : memref<1x128x128xf32, #tpu.memory_space<vmem>> -> memref<128x128xf32, #tpu.memory_space<vmem>>
    %dma_wait3A_650 = arith.constant 0 : i32
    %dma_wait3A_651 = tpu.memref_slice %arg9[%dma_wait3A_643, %dma_wait3A_644, %dma_wait3A_650] : memref<3x4x128xi32, #tpu.memory_space<vmem>> -> memref<1x1x128xi32, #tpu.memory_space<vmem>>
    %dma_wait3A_652 = tpu.memref_squeeze %dma_wait3A_651 : memref<1x1x128xi32, #tpu.memory_space<vmem>> -> memref<128xi32, #tpu.memory_space<vmem>>
    %dma_wait3A_653 = arith.constant 0 : i32
    %dma_wait3A_654 = arith.constant 0 : i32
    %dma_wait3A_655 = tpu.memref_slice %arg5[%dma_wait3A_653, %dma_wait3A_654] : memref<100000x128xf32, #tpu.memory_space<hbm>> -> memref<100000x128xf32, #tpu.memory_space<hbm>>
    tpu.wait_indirect_dma semaphore(%arg17 : memref<!tpu.dma_semaphore, #tpu.memory_space<semaphore_mem>>) src(%dma_wait3A_655 : memref<100000x128xf32, #tpu.memory_space<hbm>>) dst(%dma_wait3A_649 : memref<128x128xf32, #tpu.memory_space<vmem>>)
    %dma_wait3A_656 = arith.constant 1 : i32
    %dma_wait3A_657 = arith.constant 3 : i32
    %dma_wait3A_658 = arith.constant 1 : i32
    %dma_wait3A_659 = arith.constant 0 : i32
    %dma_wait3A_660 = arith.constant 0 : i32
    %dma_wait3A_661 = tpu.memref_slice %arg11[%dma_wait3A_658, %dma_wait3A_659, %dma_wait3A_660] : memref<2x128x128xf32, #tpu.memory_space<vmem>> -> memref<1x128x128xf32, #tpu.memory_space<vmem>>
    %dma_wait3A_662 = tpu.memref_squeeze %dma_wait3A_661 : memref<1x128x128xf32, #tpu.memory_space<vmem>> -> memref<128x128xf32, #tpu.memory_space<vmem>>
    %dma_wait3A_663 = arith.constant 0 : i32
    %dma_wait3A_664 = tpu.memref_slice %arg9[%dma_wait3A_656, %dma_wait3A_657, %dma_wait3A_663] : memref<3x4x128xi32, #tpu.memory_space<vmem>> -> memref<1x1x128xi32, #tpu.memory_space<vmem>>
    %dma_wait3A_665 = tpu.memref_squeeze %dma_wait3A_664 : memref<1x1x128xi32, #tpu.memory_space<vmem>> -> memref<128xi32, #tpu.memory_space<vmem>>
    %dma_wait3A_666 = arith.constant 0 : i32
    %dma_wait3A_667 = arith.constant 0 : i32
    %dma_wait3A_668 = tpu.memref_slice %arg5[%dma_wait3A_666, %dma_wait3A_667] : memref<100000x128xf32, #tpu.memory_space<hbm>> -> memref<100000x128xf32, #tpu.memory_space<hbm>>
    tpu.wait_indirect_dma semaphore(%arg17 : memref<!tpu.dma_semaphore, #tpu.memory_space<semaphore_mem>>) src(%dma_wait3A_668 : memref<100000x128xf32, #tpu.memory_space<hbm>>) dst(%dma_wait3A_662 : memref<128x128xf32, #tpu.memory_space<vmem>>)
    %dma_wait3A_669 = arith.constant 2 : i32
    %dma_wait3A_670 = arith.constant 3 : i32
    %dma_wait3A_671 = arith.constant 1 : i32
    %dma_wait3A_672 = arith.constant 0 : i32
    %dma_wait3A_673 = arith.constant 0 : i32
    %dma_wait3A_674 = tpu.memref_slice %arg12[%dma_wait3A_671, %dma_wait3A_672, %dma_wait3A_673] : memref<2x128x128xf32, #tpu.memory_space<vmem>> -> memref<1x128x128xf32, #tpu.memory_space<vmem>>
    %dma_wait3A_675 = tpu.memref_squeeze %dma_wait3A_674 : memref<1x128x128xf32, #tpu.memory_space<vmem>> -> memref<128x128xf32, #tpu.memory_space<vmem>>
    %dma_wait3A_676 = arith.constant 0 : i32
    %dma_wait3A_677 = tpu.memref_slice %arg9[%dma_wait3A_669, %dma_wait3A_670, %dma_wait3A_676] : memref<3x4x128xi32, #tpu.memory_space<vmem>> -> memref<1x1x128xi32, #tpu.memory_space<vmem>>
    %dma_wait3A_678 = tpu.memref_squeeze %dma_wait3A_677 : memref<1x1x128xi32, #tpu.memory_space<vmem>> -> memref<128xi32, #tpu.memory_space<vmem>>
    %dma_wait3A_679 = arith.constant 0 : i32
    %dma_wait3A_680 = arith.constant 0 : i32
    %dma_wait3A_681 = tpu.memref_slice %arg6[%dma_wait3A_679, %dma_wait3A_680] : memref<100000x128xf32, #tpu.memory_space<hbm>> -> memref<100000x128xf32, #tpu.memory_space<hbm>>
    tpu.wait_indirect_dma semaphore(%arg17 : memref<!tpu.dma_semaphore, #tpu.memory_space<semaphore_mem>>) src(%dma_wait3A_681 : memref<100000x128xf32, #tpu.memory_space<hbm>>) dst(%dma_wait3A_675 : memref<128x128xf32, #tpu.memory_space<vmem>>)
    %get3A_682 = arith.constant 1 : i32
    %get3A_683 = arith.constant 0 : i32
    %get3A_684 = arith.index_cast %get3A_682 : i32 to index
    %get3A_685 = arith.index_cast %get3A_683 : i32 to index
    %get3A_686 = arith.constant 0 : index
    %get3A_687 = tpu.vector_load %arg10[%get3A_684, %get3A_685, %get3A_686] {strides = array<i32>} : memref<2x128x128xf32, #tpu.memory_space<vmem>>, vector<16xf32>,
    %add3A_688 = arith.addf %get3A_687, %get3A_229 : vector<16xf32>
    %swap3A_689 = arith.constant 384 : index
    %swap3A_690 = tpu.vector_load %arg14[%swap3A_689] {strides = array<i32>} : memref<512xf32, #tpu.memory_space<vmem>>, vector<16xf32>,
    tpu.vector_store %arg14[%swap3A_689], %add3A_688 {strides = array<i32>} : memref<512xf32, #tpu.memory_space<vmem>>, vector<16xf32>,
    %get3A_691 = arith.constant 1 : i32
    %get3A_692 = arith.constant 0 : i32
    %get3A_693 = arith.index_cast %get3A_691 : i32 to index
    %get3A_694 = arith.index_cast %get3A_692 : i32 to index
    %get3A_695 = arith.constant 0 : index
    %get3A_696 = tpu.vector_load %arg10[%get3A_693, %get3A_694, %get3A_695] {strides = array<i32>} : memref<2x128x128xf32, #tpu.memory_space<vmem>>, vector<16xf32>,
    %add3A_697 = arith.addf %get3A_696, %get3A_229 : vector<16xf32>
    %swap3A_698 = arith.constant 400 : index
    %swap3A_699 = tpu.vector_load %arg14[%swap3A_698] {strides = array<i32>} : memref<512xf32, #tpu.memory_space<vmem>>, vector<16xf32>,
    tpu.vector_store %arg14[%swap3A_698], %add3A_697 {strides = array<i32>} : memref<512xf32, #tpu.memory_space<vmem>>, vector<16xf32>,
    %get3A_700 = arith.constant 1 : i32
    %get3A_701 = arith.constant 0 : i32
    %get3A_702 = arith.index_cast %get3A_700 : i32 to index
    %get3A_703 = arith.index_cast %get3A_701 : i32 to index
    %get3A_704 = arith.constant 0 : index
    %get3A_705 = tpu.vector_load %arg10[%get3A_702, %get3A_703, %get3A_704] {strides = array<i32>} : memref<2x128x128xf32, #tpu.memory_space<vmem>>, vector<16xf32>,
    %add3A_706 = arith.addf %get3A_705, %get3A_229 : vector<16xf32>
    %swap3A_707 = arith.constant 416 : index
    %swap3A_708 = tpu.vector_load %arg14[%swap3A_707] {strides = array<i32>} : memref<512xf32, #tpu.memory_space<vmem>>, vector<16xf32>,
    tpu.vector_store %arg14[%swap3A_707], %add3A_706 {strides = array<i32>} : memref<512xf32, #tpu.memory_space<vmem>>, vector<16xf32>,
    %get3A_709 = arith.constant 1 : i32
    %get3A_710 = arith.constant 0 : i32
    %get3A_711 = arith.index_cast %get3A_709 : i32 to index
    %get3A_712 = arith.index_cast %get3A_710 : i32 to index
    %get3A_713 = arith.constant 0 : index
    %get3A_714 = tpu.vector_load %arg10[%get3A_711, %get3A_712, %get3A_713] {strides = array<i32>} : memref<2x128x128xf32, #tpu.memory_space<vmem>>, vector<16xf32>,
    %add3A_715 = arith.addf %get3A_714, %get3A_229 : vector<16xf32>
    %swap3A_716 = arith.constant 432 : index
    %swap3A_717 = tpu.vector_load %arg14[%swap3A_716] {strides = array<i32>} : memref<512xf32, #tpu.memory_space<vmem>>, vector<16xf32>,
    tpu.vector_store %arg14[%swap3A_716], %add3A_715 {strides = array<i32>} : memref<512xf32, #tpu.memory_space<vmem>>, vector<16xf32>,
    %get3A_718 = arith.constant 1 : i32
    %get3A_719 = arith.constant 0 : i32
    %get3A_720 = arith.index_cast %get3A_718 : i32 to index
    %get3A_721 = arith.index_cast %get3A_719 : i32 to index
    %get3A_722 = arith.constant 0 : index
    %get3A_723 = tpu.vector_load %arg10[%get3A_720, %get3A_721, %get3A_722] {strides = array<i32>} : memref<2x128x128xf32, #tpu.memory_space<vmem>>, vector<16xf32>,
    %add3A_724 = arith.addf %get3A_723, %get3A_229 : vector<16xf32>
    %swap3A_725 = arith.constant 448 : index
    %swap3A_726 = tpu.vector_load %arg14[%swap3A_725] {strides = array<i32>} : memref<512xf32, #tpu.memory_space<vmem>>, vector<16xf32>,
    tpu.vector_store %arg14[%swap3A_725], %add3A_724 {strides = array<i32>} : memref<512xf32, #tpu.memory_space<vmem>>, vector<16xf32>,
    %get3A_727 = arith.constant 1 : i32
    %get3A_728 = arith.constant 0 : i32
    %get3A_729 = arith.index_cast %get3A_727 : i32 to index
    %get3A_730 = arith.index_cast %get3A_728 : i32 to index
    %get3A_731 = arith.constant 0 : index
    %get3A_732 = tpu.vector_load %arg10[%get3A_729, %get3A_730, %get3A_731] {strides = array<i32>} : memref<2x128x128xf32, #tpu.memory_space<vmem>>, vector<16xf32>,
    %add3A_733 = arith.addf %get3A_732, %get3A_229 : vector<16xf32>
    %swap3A_734 = arith.constant 464 : index
    %swap3A_735 = tpu.vector_load %arg14[%swap3A_734] {strides = array<i32>} : memref<512xf32, #tpu.memory_space<vmem>>, vector<16xf32>,
    tpu.vector_store %arg14[%swap3A_734], %add3A_733 {strides = array<i32>} : memref<512xf32, #tpu.memory_space<vmem>>, vector<16xf32>,
    %get3A_736 = arith.constant 1 : i32
    %get3A_737 = arith.constant 0 : i32
    %get3A_738 = arith.index_cast %get3A_736 : i32 to index
    %get3A_739 = arith.index_cast %get3A_737 : i32 to index
    %get3A_740 = arith.constant 0 : index
    %get3A_741 = tpu.vector_load %arg10[%get3A_738, %get3A_739, %get3A_740] {strides = array<i32>} : memref<2x128x128xf32, #tpu.memory_space<vmem>>, vector<16xf32>,
    %add3A_742 = arith.addf %get3A_741, %get3A_229 : vector<16xf32>
    %swap3A_743 = arith.constant 480 : index
    %swap3A_744 = tpu.vector_load %arg14[%swap3A_743] {strides = array<i32>} : memref<512xf32, #tpu.memory_space<vmem>>, vector<16xf32>,
    tpu.vector_store %arg14[%swap3A_743], %add3A_742 {strides = array<i32>} : memref<512xf32, #tpu.memory_space<vmem>>, vector<16xf32>,
    %get3A_745 = arith.constant 1 : i32
    %get3A_746 = arith.constant 0 : i32
    %get3A_747 = arith.index_cast %get3A_745 : i32 to index
    %get3A_748 = arith.index_cast %get3A_746 : i32 to index
    %get3A_749 = arith.constant 0 : index
    %get3A_750 = tpu.vector_load %arg10[%get3A_747, %get3A_748, %get3A_749] {strides = array<i32>} : memref<2x128x128xf32, #tpu.memory_space<vmem>>, vector<16xf32>,
    %add3A_751 = arith.addf %get3A_750, %get3A_229 : vector<16xf32>
    %swap3A_752 = arith.constant 496 : index
    %swap3A_753 = tpu.vector_load %arg14[%swap3A_752] {strides = array<i32>} : memref<512xf32, #tpu.memory_space<vmem>>, vector<16xf32>,
    tpu.vector_store %arg14[%swap3A_752], %add3A_751 {strides = array<i32>} : memref<512xf32, #tpu.memory_space<vmem>>, vector<16xf32>,
    "tpu.region"() ({
      %run_scoped3A = tpu.sem_alloc : memref<!tpu.dma_semaphore, #tpu.memory_space<semaphore_mem>>
      %dma_start3A_754 = tpu.memref_slice %arg8[%mul3A_2] : memref<16384xf32, #tpu.memory_space<hbm>> -> memref<512xf32, #tpu.memory_space<hbm>>
      %dma_start3A_755 = tpu.memref_slice %arg8[%mul3A_2] : memref<16384xf32, #tpu.memory_space<hbm>> -> memref<512xf32, #tpu.memory_space<hbm>>
      tpu.enqueue_dma source(%arg14 : memref<512xf32, #tpu.memory_space<vmem>>) target(%dma_start3A_755 : memref<512xf32, #tpu.memory_space<hbm>>) target_semaphore(%run_scoped3A : memref<!tpu.dma_semaphore, #tpu.memory_space<semaphore_mem>>)
      %dma_wait3A_756 = tpu.memref_slice %arg8[%mul3A_2] : memref<16384xf32, #tpu.memory_space<hbm>> -> memref<512xf32, #tpu.memory_space<hbm>>
      %dma_wait3A_757 = tpu.memref_slice %arg8[%mul3A_2] : memref<16384xf32, #tpu.memory_space<hbm>> -> memref<512xf32, #tpu.memory_space<hbm>>
      tpu.wait_dma2 semaphore(%run_scoped3A : memref<!tpu.dma_semaphore, #tpu.memory_space<semaphore_mem>>) src(%arg14 : memref<512xf32, #tpu.memory_space<vmem>>) dst(%dma_wait3A_757 : memref<512xf32, #tpu.memory_space<hbm>>)
      tpu.yield
    }) : () -> ()
    return
  }
}

</mosaic_0001>

<sc_bundles>
// kernel: kernel.3.cloned.1.call-start
scs
__scs_entry_jumppad:
0x0: {  	(pc) =	sbr.rel $0x88, $3  }
0x1: {  	(tag) =	ssettag $0x0;
	lr =	simm.s32 $0x1  }
0x2: {  	[smem:$0x3F9A] =	sst lr;
	_ =	strace $0xD0000000  }
0x3: {  	_ = 	snop  }
0x4: {  	_ = 	snop  }
0x5: {  	_ = 	snop  }
0x6: {  	_ = 	snop  }
0x7: {  	_ = 	snop  }
__scs_overlays_trampoline_lowered:
0x8: {  	[smem:$0x3FA9] =	sst s0  }
0x9: {  	[smem:$0x3FAA] =	sst s1  }
0xa: {  	[smem:$0x3FAB] =	sst s2  }
0xb: {  	[smem:$0x3FAC] =	sst s3  }
0xc: {  	[smem:$0x3FAD] =	sst s4  }
0xd: {  	[smem:$0x3FAE] =	sst s5  }
0xe: {  	[smem:$0x3FAF] =	sst s6  }
0xf: {  	[smem:$0x3FB0] =	sst s7  }
0x10: {  	[smem:$0x3FB1] =	sst s8  }
0x11: {  	[smem:$0x3FB2] =	sst s9;
	s0 =	simm.s32 @!p0 $0x0  }
0x12: {  	s1 =	sld [smem:$0x3F98];
	s0 =	simm.s32 @p0 $0x1  }
0x13: {  	[smem:$0x3FB3] =	sst s0;
	s0 =	simm.s32 @!p1 $0x0  }
0x14: {  	s2 =	sld [smem:$0x3F97];
	s0 =	simm.s32 @p1 $0x1  }
0x15: {  	[smem:$0x3FB4] =	sst s0;
	s0 =	simm.s32 @!p2 $0x0  }
0x16: {  	s3 =	sld [smem:$0x3FDB];
	s0 =	simm.s32 @p2 $0x1  }
0x17: {  	s4 =	simm.s32 $0x1BF5;
	[smem:$0x3FB6] =	sst s0  }
0x18: {  	s0 =	sld [smem:$0x3F99];
	_ =	swait.ge [sflag:s4], $0x0  }
0x19: {  	s7 =	sld [smem:$0x3F9A]  }
0x1a: {  	s8 =	sadd.s32 $0xFFFFE003, lr  }
0x1b: {  	s9 =	sadd.s32 $0xFFFFFEF7, lr;
	s5 =	simm.s32 $0xFFFFFFFF;
	p2 =	slt.u32 s8, $0xFFFFF086  }
0x1c: {  	p1 =	slt.u32 s9, $0xF7A;
	s5 =	simm.s32 @!p2 $0x0  }
0x1d: {  	s5 =	simm.s32 @p1 $0x1;
	p0 =	seq.s32 s7, s2  }
0x1e: {  	s7 =	smul.u32 @!p0 $0xF7A, s2;
	p2 =	seq.s32 @!p0 s5, $0x0  }
0x1f: {  	s9 =	smul.u32 $0xF7A, s1;
	s8 =	simm.s32 @!p0 $0x1BF5;
	p2 =	por !p2, p0  }
0x20: {  	[sflag:s8] =	ssyncset.s32 @!p0 $0xFFFFF086;
	s6 =	sadd.s32 @!p0 s3, s7;
	s7 =	simm.s32 @!p0 $0x108  }
0x21: {  	s3 =	sadd.s32 s3, s9;
	s6 =	sadd.s32 @!p0 $0x88, s6;
	s7 =	simm.s32 @p2 $0x1082  }
0x22: {  	[simem:s7], [sflag:s8] =	dma.local @!p0 [hbm:s6], $0xF7A  }
0x23: {  	s9 =	sor.u32 $0xD0000000, s2;
	s6 =	simm.s32 $0x108;
	_ =	swait.ge @!p0 [sflag:s8], $0x0  }
0x24: {  	s3 =	sadd.s32 $0x88, s3;
	s6 =	simm.s32 @!p1 $0x1082;
	[sflag:s4] =	ssyncset.s32 $0xFFFFF086  }
0x25: {  	[simem:s6], [sflag:s4] =	dma.local [hbm:s3], $0xF7A  }
0x26: {  	[smem:$0x3F9A] =	sst s1;
	(tag) =	ssettag s2;
	_ =	strace s9  }
0x27: {  	s1 =	sld [smem:$0x3FAA]  }
0x28: {  	s2 =	sld [smem:$0x3FAB]  }
0x29: {  	s4 =	sld [smem:$0x3FAD]  }
0x2a: {  	p0 =	seq.s32 s5, $0x0;
	s5 =	sld [smem:$0x3FAE]  }
0x2b: {  	s6 =	sld [smem:$0x3FAF]  }
0x2c: {  	s7 =	sld [smem:$0x3FB0]  }
0x2d: {  	s3 =	simm.s32 $0x108;
	s8 =	sld [smem:$0x3FB1]  }
0x2e: {  	s3 =	simm.s32 @!p0 $0x1082;
	s9 =	sld [smem:$0x3FB2]  }
0x2f: {  	lr =	sadd.s32 s0, s3;
	s0 =	sld [smem:$0x3FA9]  }
0x30: {  	s3 =	sld [smem:$0x3FAC]  }
0x31: {  	[smem:$0x3FB5] =	sst s10  }
0x32: {  	s10 =	sld [smem:$0x3FB3];
	_ =	sdelay $0x3  }
0x33: {  	p0 =	seq.s32 s10, $0x1;
	s10 =	sld [smem:$0x3FB5];
	_ =	sdelay $0x3  }
0x34: {  	[smem:$0x3FB5] =	sst s10  }
0x35: {  	s10 =	sld [smem:$0x3FB4];
	_ =	sdelay $0x3  }
0x36: {  	p1 =	seq.s32 s10, $0x1;
	s10 =	sld [smem:$0x3FB5];
	_ =	sdelay $0x3  }
0x37: {  	[smem:$0x3FB5] =	sst s10  }
0x38: {  	s10 =	sld [smem:$0x3FB6]  }
0x39: {  	_ = 	snop;
	(pc) =	sbr.ind lr, $3  }
0x3a: {  	_ = 	snop  }
0x3b: {  	_ = 	snop  }
0x3c: {  	p2 =	seq.s32 s10, $0x1;
	s10 =	sld [smem:$0x3FB5]  }
0x3d: {  	_ =	shalt  }
0x3e: {  	_ =	shalt  }
0x3f: {  	_ =	shalt  }
0x40: {  	_ =	shalt  }
0x41: {  	_ =	shalt  }
0x42: {  	_ =	shalt  }
0x43: {  	_ =	shalt  }
0x44: {  	_ =	shalt  }
0x45: {  	_ =	shalt  }
0x46: {  	_ =	shalt  }
0x47: {  	_ =	shalt  }
0x48: {  	_ =	shalt  }
0x49: {  	_ =	shalt  }
0x4a: {  	_ =	shalt  }
0x4b: {  	_ =	shalt  }
0x4c: {  	_ =	shalt  }
0x4d: {  	_ =	shalt  }
0x4e: {  	_ =	shalt  }
0x4f: {  	_ =	shalt  }
0x50: {  	_ =	shalt  }
0x51: {  	_ =	shalt  }
0x52: {  	_ =	shalt  }
0x53: {  	_ =	shalt  }
0x54: {  	_ =	shalt  }
0x55: {  	_ =	shalt  }
0x56: {  	_ =	shalt  }
0x57: {  	_ =	shalt  }
0x58: {  	_ =	shalt  }
0x59: {  	_ =	shalt  }
0x5a: {  	_ =	shalt  }
0x5b: {  	_ =	shalt  }
0x5c: {  	_ =	shalt  }
0x5d: {  	_ =	shalt  }
0x5e: {  	_ =	shalt  }
0x5f: {  	_ =	shalt  }
0x60: {  	_ =	shalt  }
0x61: {  	_ =	shalt  }
0x62: {  	_ =	shalt  }
0x63: {  	_ =	shalt  }
0x64: {  	_ =	shalt  }
0x65: {  	_ =	shalt  }
0x66: {  	_ =	shalt  }
0x67: {  	_ =	shalt  }
0x68: {  	_ =	shalt  }
0x69: {  	_ =	shalt  }
0x6a: {  	_ =	shalt  }
0x6b: {  	_ =	shalt  }
0x6c: {  	_ =	shalt  }
0x6d: {  	_ =	shalt  }
0x6e: {  	_ =	shalt  }
0x6f: {  	_ =	shalt  }
0x70: {  	_ =	shalt  }
0x71: {  	_ =	shalt  }
0x72: {  	_ =	shalt  }
0x73: {  	_ =	shalt  }
0x74: {  	_ =	shalt  }
0x75: {  	_ =	shalt  }
0x76: {  	_ =	shalt  }
0x77: {  	_ =	shalt  }
0x78: {  	_ =	shalt  }
0x79: {  	_ =	shalt  }
0x7a: {  	_ =	shalt  }
0x7b: {  	_ =	shalt  }
0x7c: {  	_ =	shalt  }
0x7d: {  	_ =	shalt  }
0x7e: {  	_ =	shalt  }
0x7f: {  	_ =	shalt  }
0x80: {  	_ =	shalt  }
0x81: {  	_ =	shalt  }
0x82: {  	_ =	shalt  }
0x83: {  	_ =	shalt  }
0x84: {  	_ =	shalt  }
0x85: {  	_ =	shalt  }
0x86: {  	_ =	shalt  }
0x87: {  	_ =	shalt  }
.Lfunc_end0:
.L_simem_size_0:
called_computation_lowered:
.L_overlay_start_0:
0x88: {  	s2 =	sld [smem:$0x3FD9]  }
0x89: {  	s3 =	sld [smem:$0x3FFE];
	_ =	sdelay $0x1  }
0x8a: {  	s1 =	srdreg.scid  }
0x8b: {  	s0 =	sand.u32 $0x1, s1  }
0x8c: {  	s17 =	sshll.u32 s0, $0xA;
	s2 =	sadd.s32 s3, s2  }
0x8d: {  	s2 =	sadd.s32 s2, s17  }
0x8e: {  	[smem:$0x3FC1] =	sst s2  }
0x8f: {  	_ = 	snop  }
0x90: {  	s2 =	sld [smem:$0x3FC9]  }
0x91: {  	s18 =	sld [smem:$0x3FC8]  }
0x92: {  	s4 =	sld [smem:$0x3FC7]  }
0x93: {  	s5 =	sld [smem:$0x3FC6]  }
0x94: {  	s6 =	sld [smem:$0x3FC5]  }
0x95: {  	s7 =	sld [smem:$0x3FD0];
	(tm) =	ssettm $0x1  }
0x96: {  	s8 =	sld [smem:$0x3FFB];
	_ =	sdelay $0x3  }
0x97: {  	_ =	strace s8  }
0x98: {  	s8 =	sld [smem:$0x3FFC];
	_ =	sdelay $0x3  }
0x99: {  	_ =	strace s8  }
0x9a: {  	s8 =	sld [smem:$0x3FFD];
	_ =	sdelay $0x3  }
0x9b: {  	_ =	strace s8  }
0x9c: {  	_ =	strace $0x8FFFFFFF  }
0x9d: {  	s19 =	sld [smem:$0x3FDB];
	_ =	sdelay $0x1  }
0x9e: {  	s9 =	simm.s32 $_scs_section_size  }
0x9f: {  	s10 =	simm.s32 $_size__tile_overlayer_lowered;
	s11 =	simm.s32 $_tile_overlayer_lowered  }
0xa0: {  	s22 =	simm.s32 $0x1BFF;
	s21 =	sshll.u32 s11, $0x1;
	s8 =	sadd.s32 s9, s19  }
0xa1: {  	s12 =	simm.s32 $0x0;
	s20 =	sshll.u32 s10, $0x1;
	s10 =	sadd.s32 s21, s8  }
0xa2: {  	[timem:s12], [sflag:s22] =	dma.local [hbm:s10], s20  }
0xa3: {  	_ =	swait.ge [sflag:s22], s20  }
0xa4: {  	s9 =	ssub.s32 $0x0, s20;
	[sflag:s22] =	ssyncset.done $0x0  }
0xa5: {  	[sflag:s22] =	ssyncadd.s32 s9;
	_ =	sdelay $0x1  }
0xa6: {  	s23 =	simm.s32 $0x1B8B  }
0xa7: {  	_ =	swait.ge [sflag:s23], $0x1  }
0xa8: {  	[sflag:s23] =	ssyncset.done $0x0  }
0xa9: {  	s25 =	simm.s32 $0x1B8E;
	s24 =	sld [smem:$0x3FFE];
	[sflag:s23] =	ssyncadd.s32 $0xFFFFFFFF  }
0xaa: {  	s26 =	simm.s32 $execute0_lowered;
	[smem:$0x3FD2] =	sst s25  }
0xab: {  	s10 =	sshll.u32 s26, $0x1;
	_ =	strace $0x80000046;
	[dreg:$0x1] =	wrdreg $0xFFFFFFFF  }
0xac: {  	s28 =	simm.s32 $_size_execute0_lowered;
	s8 =	sadd.s32 s8, s10;
	[dreg:$0x0] =	wrdreg $0x0  }
0xad: {  	s10 =	sshll.u32 s28, $0x1;
	[dreg:$0x2] =	wrdreg s8  }
0xae: {  	[dreg:$0x3] =	wrdreg s10  }
0xaf: {  	[dreg:$0x4] =	wrdreg $0xC0  }
0xb0: {  	_ =	task [dreg:s12], $0x5FFFF  }
0xb1: {  	[dreg:$0x1] =	wrdreg $0xFFFFFFFF  }
0xb2: {  	[dreg:$0x0] =	wrdreg $0x60  }
0xb3: {  	[dreg:$0x2] =	wrdreg s2  }
0xb4: {  	[dreg:$0x3] =	wrdreg s18  }
0xb5: {  	[dreg:$0x4] =	wrdreg s4  }
0xb6: {  	[dreg:$0x5] =	wrdreg s5  }
0xb7: {  	[dreg:$0x6] =	wrdreg s6  }
0xb8: {  	[dreg:$0x7] =	wrdreg s24  }
0xb9: {  	[dreg:$0x8] =	wrdreg s7  }
0xba: {  	[dreg:$0x9] =	wrdreg $0x9  }
0xbb: {  	_ =	task.clear_ibuf [dreg:s12], $0xAFFFF;
	_ =	strace $0x90000046  }
0xbc: {  	s29 =	simm.s32 $0x9;
	_ =	strace $0x80000048  }
0xbd: {  	_ =	swait.ge [sflag:s29], $0x1  }
0xbe: {  	[sflag:s29] =	ssyncadd.s32 $0xFFFFFFFF  }
0xbf: {  	_ =	strace $0x90000048  }
0xc0: {  	_ =	sfence  }
0xc1: {  	s30 =	sld [smem:$0x0];
	_ =	sdelay $0x2  }
0xc2: {  	s31 =	sshll.u32 s1, $0xD;
	s1 =	sshrl.u32 s1, $0x2  }
0xc3: {  	s3 =	sand.u32 $0x4000, s31;
	s1 =	sadd.s32 s1, s30  }
0xc4: {  	s0 =	sor.u32 s3, s0;
	s1 =	sshll.u32 s1, $0x11  }
0xc5: {  	s0 =	sor.u32 s1, s0  }
0xc6: {  	s0 =	sadd.s32 $0x8F2B, s0  }
0xc7: {  	[sflag:s0] =	ssyncadd.remote.s32 $0x1  }
0xc8: {  	_ =	sfence.sel $0xFFFF  }
0xc9: {  	[dreg:$0x0] =	wrdreg $0xFFFFFFFF;
	(pc) =	sbr.abs _section_cstart, $3  }
0xca: {  	[dreg:$0x1] =	wrdreg $0xFFFFFFFF  }
0xcb: {  	_ =	task.clear_ibuf [dreg:s12], $0x2FFFF;
	_ =	strace $0x9FFFFFFF  }
0xcc: {  	(tm) =	ssettm $0x7FFFFFFF  }
0xcd: {  	_ =	shalt  }
tec
execute0_lowered:
.L_overlay_start_1:
0x0: {  	(tag) =	ssettag $0x1  }
0x1: {  	s5 =	rddreg [dreg:$0x0]  }
0x2: {  	s6 =	rddreg [dreg:$0x1]  }
0x3: {  	s8 =	rddreg [dreg:$0x2]  }
0x4: {  	s3 =	rddreg [dreg:$0x3]  }
0x5: {  	s4 =	rddreg [dreg:$0x4]  }
0x6: {  	s0 =	rddreg [dreg:$0x5];
	s7 =	srdreg.scid;
	s2 =	simm.s32 $0x0  }
0x7: {  	s1 =	stileid.u32;
	[dreg:$0x8] =	wrdreg s0;
	s26 =	sand.u32 $0x1, s7  }
0x8: {  	[smem:$0x7FF] =	sst s2;
	s20 =	sshll.u32 s1, $0x7;
	s9 =	sshll.u32 s26, $0x6  }
0x9: {  	s16 =	rddreg [dreg:$0x6];
	_ =	strace $0x80000047;
	s24 =	sor.u32 s9, s20  }
0xa: {  	s22 =	simm.s32 $0x18600;
	s21 =	rddreg [dreg:$0x8];
	s5 =	sadd.s32 s5, s24  }
0xb: {  	[tilespmem:s22], [sflag:$0x3] =	stream.linear.gather [hbm4b:s21+s2], $0x200, $0x38;
	[tilespmem:$0x18A00] =	vst v63  }
0xc: {  	[dreg:$0x9] =	wrdreg s5  }
0xd: {  	s23 =	rddreg [dreg:$0x9]  }
0xe: {  	[tilespmem:s2], [sflag:$0x3] =	stream.linear.gather [hbm4b:s23+s2], $0x200, $0x38;
	[tilespmem:$0x18A00] =	vst v63  }
0xf: {  	s7 =	simm.s32 $0x200;
	s6 =	sadd.s32 s6, s24  }
0x10: {  	[tilespmem:s7], [sflag:$0x3] =	stream.linear.gather [hbm4b:s6+s2], $0x200, $0x38;
	[tilespmem:$0x18A00] =	vst v63  }
0x11: {  	s10 =	simm.s32 $0x3;
	s9 =	simm.s32 $0x400;
	s8 =	sadd.s32 s8, s24  }
0x12: {  	[tilespmem:s9], [sflag:$0x3] =	stream.linear.gather [hbm4b:s8+s2], $0x200, $0x38;
	[tilespmem:$0x18A00] =	vst v63  }
0x13: {  	_ =	swait.ge [sflag:s10], $0x200  }
0x14: {  	[sflag:s10] =	ssyncset.done $0x0  }
0x15: {  	[sflag:s10] =	ssyncadd.s32 $0xFFFFFE00  }
0x16: {  	_ =	swait.ge [sflag:s10], $0x200  }
0x17: {  	[sflag:s10] =	ssyncset.done $0x0  }
0x18: {  	[sflag:s10] =	ssyncadd.s32 $0xFFFFFE00  }
0x19: {  	_ =	swait.ge [sflag:s10], $0x200  }
0x1a: {  	[sflag:s10] =	ssyncset.done $0x0  }
0x1b: {  	s11 =	simm.s32 $0x80;
	s12 =	simm.s32 $0x600;
	[sflag:s10] =	ssyncadd.s32 $0xFFFFFE00  }
0x1c: {  	[tilespmem:s12], [sflag:$0x1] =	stream.indirect.gather [hbm4b:s3+s11], $0x80, s2, s11, $0xb8;
	[tilespmem:$0x18A00] =	vst v63  }
0x1d: {  	s13 =	simm.s32 $0x8600  }
0x1e: {  	[tilespmem:s13], [sflag:$0x1] =	stream.indirect.gather [hbm4b:s3+s11], $0x80, s7, s11, $0xb8;
	[tilespmem:$0x18A00] =	vst v63  }
0x1f: {  	s14 =	simm.s32 $0x10600  }
0x20: {  	[tilespmem:s14], [sflag:$0x1] =	stream.indirect.gather [hbm4b:s4+s11], $0x80, s9, s11, $0xb8;
	[tilespmem:$0x18A00] =	vst v63  }
0x21: {  	s15 =	simm.s32 $0x4600  }
0x22: {  	[tilespmem:s15], [sflag:$0x2] =	stream.indirect.gather [hbm4b:s3+s11], $0x80, s11, s11, $0xb8;
	[tilespmem:$0x18A00] =	vst v63  }
0x23: {  	s25 =	simm.s32 $0x280;
	s17 =	simm.s32 $0xC600  }
0x24: {  	[tilespmem:s17], [sflag:$0x2] =	stream.indirect.gather [hbm4b:s3+s11], $0x80, s25, s11, $0xb8;
	[tilespmem:$0x18A00] =	vst v63  }
0x25: {  	s18 =	simm.s32 $0x480;
	s19 =	simm.s32 $0x14600  }
0x26: {  	[tilespmem:s19], [sflag:$0x2] =	stream.indirect.gather [hbm4b:s4+s11], $0x80, s18, s11, $0xb8;
	[tilespmem:$0x18A00] =	vst v63  }
0x27: {  	_ =	swait.ge [sflag:s10], $0x200  }
0x28: {  	[sflag:s10] =	ssyncset.done $0x0  }
0x29: {  	s20 =	simm.s32 $0x1;
	[sflag:s10] =	ssyncadd.s32 $0xFFFFFE00  }
0x2a: {  	v0 =	vld [tilespmem:$0x18780];
	_ =	swait.ge [sflag:s20], $0x4000  }
0x2b: {  	[sflag:s20] =	ssyncset.done $0x0  }
0x2c: {  	[sflag:s20] =	ssyncadd.s32 $0xFFFFC000  }
0x2d: {  	_ =	swait.ge [sflag:s20], $0x4000  }
0x2e: {  	[sflag:s20] =	ssyncset.done $0x0  }
0x2f: {  	[sflag:s20] =	ssyncadd.s32 $0xFFFFC000  }
0x30: {  	_ =	swait.ge [sflag:s20], $0x4000  }
0x31: {  	[sflag:s20] =	ssyncset.done $0x0  }
0x32: {  	[sflag:s20] =	ssyncadd.s32 $0xFFFFC000  }
0x33: {  	v1 =	vld [tilespmem:$0x600]  }
0x34: {  	v2 =	vld [tilespmem:$0x600]  }
0x35: {  	v3 =	vld [tilespmem:$0x600]  }
0x36: {  	v4 =	vld [tilespmem:$0x600]  }
0x37: {  	v5 =	vld [tilespmem:$0x600]  }
0x38: {  	v8 =	vld [tilespmem:$0x600];
	v1 =	vadd.f32 v1, v0  }
0x39: {  	v6 =	vld [tilespmem:$0x600];
	v2 =	vadd.f32 v2, v0  }
0x3a: {  	v7 =	vld [tilespmem:$0x600];
	v3 =	vadd.f32 v3, v0;
	[tilespmem:$0x18870] =	vst v1  }
0x3b: {  	v1 =	vadd.f32 v4, v0;
	[tilespmem:$0x18830] =	vst v2  }
0x3c: {  	[tilespmem:$0x18820] =	vst v3;
	v2 =	vadd.f32 v5, v0  }
0x3d: {  	v3 =	vadd.f32 v8, v0;
	[tilespmem:$0x18810] =	vst v1  }
0x3e: {  	v1 =	vadd.f32 v6, v0;
	[tilespmem:$0x18850] =	vst v2  }
0x3f: {  	v2 =	vadd.f32 v7, v0;
	[tilespmem:$0x18800] =	vst v3  }
0x40: {  	[tilespmem:$0x18840] =	vst v1  }
0x41: {  	s22 =	simm.s32 $0x100;
	[tilespmem:$0x18860] =	vst v2  }
0x42: {  	[tilespmem:s12], [sflag:$0x1] =	stream.indirect.gather [hbm4b:s3+s11], $0x80, s22, s11, $0xb8;
	[tilespmem:$0x18A00] =	vst v63  }
0x43: {  	s23 =	simm.s32 $0x300  }
0x44: {  	[tilespmem:s13], [sflag:$0x1] =	stream.indirect.gather [hbm4b:s3+s11], $0x80, s23, s11, $0xb8;
	[tilespmem:$0x18A00] =	vst v63  }
0x45: {  	s21 =	simm.s32 $0x2;
	s25 =	simm.s32 $0x500  }
0x46: {  	[tilespmem:s14], [sflag:$0x1] =	stream.indirect.gather [hbm4b:s4+s11], $0x80, s25, s11, $0xb8;
	[tilespmem:$0x18A00] =	vst v63  }
0x47: {  	_ =	swait.ge [sflag:s21], $0x4000  }
0x48: {  	[sflag:s21] =	ssyncset.done $0x0  }
0x49: {  	[sflag:s21] =	ssyncadd.s32 $0xFFFFC000  }
0x4a: {  	_ =	swait.ge [sflag:s21], $0x4000  }
0x4b: {  	[sflag:s21] =	ssyncset.done $0x0  }
0x4c: {  	[sflag:s21] =	ssyncadd.s32 $0xFFFFC000  }
0x4d: {  	_ =	swait.ge [sflag:s21], $0x4000  }
0x4e: {  	[sflag:s21] =	ssyncset.done $0x0  }
0x4f: {  	[sflag:s21] =	ssyncadd.s32 $0xFFFFC000  }
0x50: {  	v1 =	vld [tilespmem:$0x4600]  }
0x51: {  	v2 =	vld [tilespmem:$0x4600]  }
0x52: {  	v3 =	vld [tilespmem:$0x4600]  }
0x53: {  	v59 =	vld [tilespmem:$0x4600]  }
0x54: {  	v60 =	vld [tilespmem:$0x4600]  }
0x55: {  	v63 =	vld [tilespmem:$0x4600];
	v1 =	vadd.f32 v1, v0  }
0x56: {  	v61 =	vld [tilespmem:$0x4600];
	v2 =	vadd.f32 v2, v0  }
0x57: {  	v62 =	vld [tilespmem:$0x4600];
	v3 =	vadd.f32 v3, v0;
	[tilespmem:$0x188E0] =	vst v1  }
0x58: {  	v1 =	vadd.f32 v59, v0;
	[tilespmem:$0x188B0] =	vst v2  }
0x59: {  	v2 =	vadd.f32 v60, v0;
	[tilespmem:$0x188A0] =	vst v3  }
0x5a: {  	v3 =	vadd.f32 v63, v0;
	[tilespmem:$0x18890] =	vst v1  }
0x5b: {  	v1 =	vadd.f32 v61, v0;
	[tilespmem:$0x188D0] =	vst v2  }
0x5c: {  	v2 =	vadd.f32 v62, v0;
	[tilespmem:$0x18880] =	vst v3  }
0x5d: {  	[tilespmem:$0x188C0] =	vst v1  }
0x5e: {  	s29 =	simm.s32 $0x180;
	[tilespmem:$0x188F0] =	vst v2  }
0x5f: {  	[tilespmem:s15], [sflag:$0x2] =	stream.indirect.gather [hbm4b:s3+s11], $0x80, s29, s11, $0xb8;
	[tilespmem:$0x18A00] =	vst v63  }
0x60: {  	s30 =	simm.s32 $0x380  }
0x61: {  	[tilespmem:s17], [sflag:$0x2] =	stream.indirect.gather [hbm4b:s3+s11], $0x80, s30, s11, $0xb8;
	[tilespmem:$0x18A00] =	vst v63  }
0x62: {  	s31 =	simm.s32 $0x580  }
0x63: {  	[tilespmem:s19], [sflag:$0x2] =	stream.indirect.gather [hbm4b:s4+s11], $0x80, s31, s11, $0xb8;
	[tilespmem:$0x18A00] =	vst v63  }
0x64: {  	_ =	swait.ge [sflag:s20], $0x4000  }
0x65: {  	s26 =	ssub.s32 $0x2, s26;
	[sflag:s20] =	ssyncset.done $0x0  }
0x66: {  	s28 =	sshrl.u32 s26, $0x1;
	[sflag:s20] =	ssyncadd.s32 $0xFFFFC000  }
0x67: {  	s26 =	ssub.s32 s26, s28;
	_ =	swait.ge [sflag:s20], $0x4000  }
0x68: {  	s26 =	smax.u32 s26, $0x1;
	[sflag:s20] =	ssyncset.done $0x0  }
0x69: {  	p0 =	sne.s32 s26, $0x1;
	[sflag:s20] =	ssyncadd.s32 $0xFFFFC000  }
.Ltmp0:
0x6a: {  	_ =	swait.ge [sflag:s20], $0x4000;
	(pc) =	sbr.rel @!p0 .LBB2_3-.Ltmp0, $4  }
0x6b: {  	[sflag:s20] =	ssyncset.done $0x0  }
0x6c: {  	[sflag:s20] =	ssyncadd.s32 $0xFFFFC000  }
0x6d: {  	s24 =	sadd.s32 s16, s24;
	v1 =	vld [tilespmem:$0x600]  }
0x6e: {  	s28 =	simm.s32 $0x18800;
	s0 =	sadd.s32 $0xFFFFFFFF, s26;
	s26 =	simm.s32 $0x4;
	v2 =	vld [tilespmem:$0x600]  }
0x6f: {  	s16 =	simm.s32 $0x18600  }
.LBB2_2:
0x70: {  	_ = 	snop  }
0x71: {  	v3 =	vld [tilespmem:$0x600]  }
0x72: {  	v5 =	vld [tilespmem:$0x600]  }
0x73: {  	v6 =	vld [tilespmem:$0x600]  }
0x74: {  	v8 =	vld [tilespmem:$0x600];
	v2 =	vadd.f32 v2, v0  }
0x75: {  	v4 =	vld [tilespmem:$0x600];
	v1 =	vadd.f32 v1, v0  }
0x76: {  	v7 =	vld [tilespmem:$0x600];
	v3 =	vadd.f32 v3, v0;
	[tilespmem:$0x18940] =	vst v2  }
0x77: {  	v45 =	vadd.f32 v5, v0;
	[tilespmem:$0x18970] =	vst v1  }
0x78: {  	v46 =	vadd.f32 v6, v0;
	[tilespmem:$0x18930] =	vst v3  }
0x79: {  	v47 =	vadd.f32 v8, v0;
	[tilespmem:$0x18920] =	vst v45  }
0x7a: {  	v2 =	vadd.f32 v4, v0;
	[tilespmem:$0x18900] =	vst v46  }
0x7b: {  	v3 =	vadd.f32 v7, v0;
	[tilespmem:$0x18910] =	vst v47  }
0x7c: {  	[tilespmem:$0x18960] =	vst v2  }
0x7d: {  	[tilespmem:$0x18950] =	vst v3  }
0x7e: {  	_ =	swait.ge [sflag:s21], $0x4000  }
0x7f: {  	[sflag:s21] =	ssyncset.done $0x0  }
0x80: {  	[sflag:s21] =	ssyncadd.s32 $0xFFFFC000  }
0x81: {  	_ =	swait.ge [sflag:s21], $0x4000  }
0x82: {  	[sflag:s21] =	ssyncset.done $0x0  }
0x83: {  	[sflag:s21] =	ssyncadd.s32 $0xFFFFC000  }
0x84: {  	_ =	swait.ge [sflag:s21], $0x4000  }
0x85: {  	[sflag:s21] =	ssyncset.done $0x0  }
0x86: {  	[sflag:s21] =	ssyncadd.s32 $0xFFFFC000  }
0x87: {  	v1 =	vld [tilespmem:$0x4600]  }
0x88: {  	v2 =	vld [tilespmem:$0x4600]  }
0x89: {  	v3 =	vld [tilespmem:$0x4600]  }
0x8a: {  	v51 =	vld [tilespmem:$0x4600];
	_ =	sdelay $0x1  }
0x8b: {  	v48 =	vld [tilespmem:$0x4600]  }
0x8c: {  	v49 =	vld [tilespmem:$0x4600];
	v1 =	vadd.f32 v1, v0  }
0x8d: {  	v50 =	vld [tilespmem:$0x4600];
	v2 =	vadd.f32 v2, v0  }
0x8e: {  	v52 =	vadd.f32 v51, v0;
	[tilespmem:$0x18980] =	vst v1;
	v1 =	vadd.f32 v3, v0;
	v3 =	vld [tilespmem:$0x4600]  }
0x8f: {  	[tilespmem:$0x18990] =	vst v2  }
0x90: {  	v2 =	vadd.f32 v48, v0;
	[tilespmem:$0x189E0] =	vst v52  }
0x91: {  	[tilespmem:$0x189A0] =	vst v1;
	v1 =	vadd.f32 v49, v0  }
0x92: {  	[tilespmem:$0x189B0] =	vst v2;
	v2 =	vadd.f32 v50, v0  }
0x93: {  	[tilespmem:$0x189F0] =	vst v1;
	v0 =	vadd.f32 v3, v0  }
0x94: {  	[tilespmem:$0x189D0] =	vst v2  }
0x95: {  	[tilespmem:$0x189C0] =	vst v0  }
0x96: {  	[hbm4b:s24+s2] =	stream.linear.scatter [tilespmem:s28], [sflag:$0x4], $0x200, $0x38;
	[tilespmem:$0x18A00] =	vst v63  }
0x97: {  	_ =	swait.ge [sflag:s26], $0x200  }
0x98: {  	[sflag:s26] =	ssyncset.done $0x0  }
0x99: {  	s1 =	rddreg [dreg:$0x8];
	[sflag:s26] =	ssyncadd.s32 $0xFFFFFE00  }
0x9a: {  	[tilespmem:s16], [sflag:$0x3] =	stream.linear.gather [hbm4b:s1+s2], $0x200, $0x38;
	[tilespmem:$0x18A00] =	vst v63  }
0x9b: {  	s5 =	rddreg [dreg:$0x9]  }
0x9c: {  	[tilespmem:s2], [sflag:$0x3] =	stream.linear.gather [hbm4b:s5+s2], $0x200, $0x38;
	[tilespmem:$0x18A00] =	vst v63  }
0x9d: {  	_ = 	snop  }
0x9e: {  	[tilespmem:s7], [sflag:$0x3] =	stream.linear.gather [hbm4b:s6+s2], $0x200, $0x38;
	[tilespmem:$0x18A00] =	vst v63  }
0x9f: {  	_ = 	snop  }
0xa0: {  	[tilespmem:s9], [sflag:$0x3] =	stream.linear.gather [hbm4b:s8+s2], $0x200, $0x38;
	[tilespmem:$0x18A00] =	vst v63  }
0xa1: {  	_ =	swait.ge [sflag:s10], $0x200  }
0xa2: {  	[sflag:s10] =	ssyncset.done $0x0  }
0xa3: {  	[sflag:s10] =	ssyncadd.s32 $0xFFFFFE00  }
0xa4: {  	_ =	swait.ge [sflag:s10], $0x200  }
0xa5: {  	[sflag:s10] =	ssyncset.done $0x0  }
0xa6: {  	[sflag:s10] =	ssyncadd.s32 $0xFFFFFE00  }
0xa7: {  	_ =	swait.ge [sflag:s10], $0x200  }
0xa8: {  	[sflag:s10] =	ssyncset.done $0x0  }
0xa9: {  	[sflag:s10] =	ssyncadd.s32 $0xFFFFFE00  }
0xaa: {  	[tilespmem:s12], [sflag:$0x1] =	stream.indirect.gather [hbm4b:s3+s11], $0x80, s2, s11, $0xb8;
	[tilespmem:$0x18A00] =	vst v63  }
0xab: {  	_ = 	snop  }
0xac: {  	[tilespmem:s13], [sflag:$0x1] =	stream.indirect.gather [hbm4b:s3+s11], $0x80, s7, s11, $0xb8;
	[tilespmem:$0x18A00] =	vst v63  }
0xad: {  	_ = 	snop  }
0xae: {  	[tilespmem:s14], [sflag:$0x1] =	stream.indirect.gather [hbm4b:s4+s11], $0x80, s9, s11, $0xb8;
	[tilespmem:$0x18A00] =	vst v63  }
0xaf: {  	_ = 	snop  }
0xb0: {  	[tilespmem:s15], [sflag:$0x2] =	stream.indirect.gather [hbm4b:s3+s11], $0x80, s11, s11, $0xb8;
	[tilespmem:$0x18A00] =	vst v63  }
0xb1: {  	s5 =	simm.s32 $0x280  }
0xb2: {  	[tilespmem:s17], [sflag:$0x2] =	stream.indirect.gather [hbm4b:s3+s11], $0x80, s5, s11, $0xb8;
	[tilespmem:$0x18A00] =	vst v63  }
0xb3: {  	_ = 	snop  }
0xb4: {  	[tilespmem:s19], [sflag:$0x2] =	stream.indirect.gather [hbm4b:s4+s11], $0x80, s18, s11, $0xb8;
	[tilespmem:$0x18A00] =	vst v63  }
0xb5: {  	_ =	swait.ge [sflag:s10], $0x200  }
0xb6: {  	[sflag:s10] =	ssyncset.done $0x0  }
0xb7: {  	[sflag:s10] =	ssyncadd.s32 $0xFFFFFE00  }
0xb8: {  	v0 =	vld [tilespmem:$0x18780];
	_ =	swait.ge [sflag:s20], $0x4000  }
0xb9: {  	[sflag:s20] =	ssyncset.done $0x0  }
0xba: {  	[sflag:s20] =	ssyncadd.s32 $0xFFFFC000  }
0xbb: {  	_ =	swait.ge [sflag:s20], $0x4000  }
0xbc: {  	[sflag:s20] =	ssyncset.done $0x0  }
0xbd: {  	[sflag:s20] =	ssyncadd.s32 $0xFFFFC000  }
0xbe: {  	_ =	swait.ge [sflag:s20], $0x4000  }
0xbf: {  	[sflag:s20] =	ssyncset.done $0x0  }
0xc0: {  	[sflag:s20] =	ssyncadd.s32 $0xFFFFC000  }
0xc1: {  	v1 =	vld [tilespmem:$0x600]  }
0xc2: {  	v2 =	vld [tilespmem:$0x600]  }
0xc3: {  	v3 =	vld [tilespmem:$0x600]  }
0xc4: {  	v53 =	vld [tilespmem:$0x600]  }
0xc5: {  	v54 =	vld [tilespmem:$0x600]  }
0xc6: {  	v57 =	vld [tilespmem:$0x600];
	v1 =	vadd.f32 v1, v0  }
0xc7: {  	v55 =	vld [tilespmem:$0x600];
	v2 =	vadd.f32 v2, v0  }
0xc8: {  	v56 =	vld [tilespmem:$0x600];
	v3 =	vadd.f32 v3, v0;
	[tilespmem:$0x18870] =	vst v1  }
0xc9: {  	v1 =	vadd.f32 v53, v0;
	[tilespmem:$0x18830] =	vst v2  }
0xca: {  	[tilespmem:$0x18820] =	vst v3;
	v2 =	vadd.f32 v54, v0  }
0xcb: {  	v3 =	vadd.f32 v57, v0;
	[tilespmem:$0x18810] =	vst v1  }
0xcc: {  	v1 =	vadd.f32 v55, v0;
	[tilespmem:$0x18850] =	vst v2  }
0xcd: {  	v2 =	vadd.f32 v56, v0;
	[tilespmem:$0x18800] =	vst v3  }
0xce: {  	[tilespmem:$0x18840] =	vst v1  }
0xcf: {  	[tilespmem:$0x18860] =	vst v2  }
0xd0: {  	[tilespmem:s12], [sflag:$0x1] =	stream.indirect.gather [hbm4b:s3+s11], $0x80, s22, s11, $0xb8;
	[tilespmem:$0x18A00] =	vst v63  }
0xd1: {  	_ = 	snop  }
0xd2: {  	[tilespmem:s13], [sflag:$0x1] =	stream.indirect.gather [hbm4b:s3+s11], $0x80, s23, s11, $0xb8;
	[tilespmem:$0x18A00] =	vst v63  }
0xd3: {  	_ = 	snop  }
0xd4: {  	[tilespmem:s14], [sflag:$0x1] =	stream.indirect.gather [hbm4b:s4+s11], $0x80, s25, s11, $0xb8;
	[tilespmem:$0x18A00] =	vst v63  }
0xd5: {  	_ =	swait.ge [sflag:s21], $0x4000  }
0xd6: {  	[sflag:s21] =	ssyncset.done $0x0  }
0xd7: {  	[sflag:s21] =	ssyncadd.s32 $0xFFFFC000  }
0xd8: {  	_ =	swait.ge [sflag:s21], $0x4000  }
0xd9: {  	[sflag:s21] =	ssyncset.done $0x0  }
0xda: {  	[sflag:s21] =	ssyncadd.s32 $0xFFFFC000  }
0xdb: {  	_ =	swait.ge [sflag:s21], $0x4000  }
0xdc: {  	[sflag:s21] =	ssyncset.done $0x0  }
0xdd: {  	[sflag:s21] =	ssyncadd.s32 $0xFFFFC000  }
0xde: {  	v3 =	vld [tilespmem:$0x4600]  }
0xdf: {  	v2 =	vld [tilespmem:$0x4600]  }
0xe0: {  	v59 =	vld [tilespmem:$0x4600]  }
0xe1: {  	v60 =	vld [tilespmem:$0x4600]  }
0xe2: {  	v1 =	vld [tilespmem:$0x4600]  }
0xe3: {  	v61 =	vld [tilespmem:$0x4600];
	v3 =	vadd.f32 v3, v0  }
0xe4: {  	v62 =	vld [tilespmem:$0x4600];
	v2 =	vadd.f32 v2, v0  }
0xe5: {  	v58 =	vld [tilespmem:$0x4600];
	v5 =	vadd.f32 v59, v0;
	[tilespmem:$0x188E0] =	vst v3  }
0xe6: {  	v63 =	vadd.f32 v60, v0;
	[tilespmem:$0x188B0] =	vst v2  }
0xe7: {  	v1 =	vadd.f32 v1, v0;
	[tilespmem:$0x188A0] =	vst v5  }
0xe8: {  	[tilespmem:$0x18890] =	vst v63;
	v2 =	vadd.f32 v61, v0  }
0xe9: {  	[tilespmem:$0x188D0] =	vst v1;
	v1 =	vadd.f32 v62, v0  }
0xea: {  	v3 =	vadd.f32 v58, v0;
	[tilespmem:$0x188C0] =	vst v2  }
0xeb: {  	[tilespmem:$0x188F0] =	vst v1  }
0xec: {  	[tilespmem:$0x18880] =	vst v3  }
0xed: {  	[tilespmem:s15], [sflag:$0x2] =	stream.indirect.gather [hbm4b:s3+s11], $0x80, s29, s11, $0xb8;
	[tilespmem:$0x18A00] =	vst v63  }
0xee: {  	_ = 	snop  }
0xef: {  	[tilespmem:s17], [sflag:$0x2] =	stream.indirect.gather [hbm4b:s3+s11], $0x80, s30, s11, $0xb8;
	[tilespmem:$0x18A00] =	vst v63  }
0xf0: {  	_ = 	snop  }
0xf1: {  	[tilespmem:s19], [sflag:$0x2] =	stream.indirect.gather [hbm4b:s4+s11], $0x80, s31, s11, $0xb8;
	[tilespmem:$0x18A00] =	vst v63  }
0xf2: {  	_ =	swait.ge [sflag:s20], $0x4000  }
0xf3: {  	[sflag:s20] =	ssyncset.done $0x0  }
0xf4: {  	[sflag:s20] =	ssyncadd.s32 $0xFFFFC000  }
0xf5: {  	_ =	swait.ge [sflag:s20], $0x4000  }
0xf6: {  	[sflag:s20] =	ssyncset.done $0x0  }
0xf7: {  	p0 =	sne.s32 s0, $0x1;
	[sflag:s20] =	ssyncadd.s32 $0xFFFFC000  }
.Ltmp1:
0xf8: {  	_ =	swait.ge [sflag:s20], $0x4000;
	(pc) =	sbr.rel @p0 .LBB2_2-.Ltmp1, $4  }
0xf9: {  	[sflag:s20] =	ssyncset.done $0x0  }
0xfa: {  	[sflag:s20] =	ssyncadd.s32 $0xFFFFC000  }
0xfb: {  	v1 =	vld [tilespmem:$0x600]  }
0xfc: {  	s0 =	sadd.s32 $0xFFFFFFFF, s0;
	v2 =	vld [tilespmem:$0x600]  }
.LBB2_3:
0xfd: {  	v3 =	vld [tilespmem:$0x600]  }
0xfe: {  	v4 =	vld [tilespmem:$0x600]  }
0xff: {  	v5 =	vld [tilespmem:$0x600]  }
0x100: {  	v6 =	vld [tilespmem:$0x600];
	v1 =	vadd.f32 v1, v0  }
0x101: {  	v7 =	vld [tilespmem:$0x600];
	v2 =	vadd.f32 v2, v0  }
0x102: {  	v8 =	vld [tilespmem:$0x600];
	v3 =	vadd.f32 v3, v0;
	[tilespmem:$0x18970] =	vst v1  }
0x103: {  	v45 =	vadd.f32 v4, v0;
	[tilespmem:$0x18940] =	vst v2  }
0x104: {  	v46 =	vadd.f32 v5, v0;
	[tilespmem:$0x18930] =	vst v3  }
0x105: {  	v47 =	vadd.f32 v6, v0;
	[tilespmem:$0x18920] =	vst v45  }
0x106: {  	v48 =	vadd.f32 v7, v0;
	[tilespmem:$0x18960] =	vst v46  }
0x107: {  	v49 =	vadd.f32 v8, v0;
	[tilespmem:$0x18900] =	vst v47  }
0x108: {  	[tilespmem:$0x18950] =	vst v48  }
0x109: {  	[tilespmem:$0x18910] =	vst v49  }
0x10a: {  	_ =	swait.ge [sflag:s21], $0x4000  }
0x10b: {  	[sflag:s21] =	ssyncset.done $0x0  }
0x10c: {  	[sflag:s21] =	ssyncadd.s32 $0xFFFFC000  }
0x10d: {  	_ =	swait.ge [sflag:s21], $0x4000  }
0x10e: {  	[sflag:s21] =	ssyncset.done $0x0  }
0x10f: {  	[sflag:s21] =	ssyncadd.s32 $0xFFFFC000  }
0x110: {  	_ =	swait.ge [sflag:s21], $0x4000  }
0x111: {  	[sflag:s21] =	ssyncset.done $0x0  }
0x112: {  	[sflag:s21] =	ssyncadd.s32 $0xFFFFC000  }
0x113: {  	v50 =	vld [tilespmem:$0x4600]  }
0x114: {  	v51 =	vld [tilespmem:$0x4600]  }
0x115: {  	v52 =	vld [tilespmem:$0x4600]  }
0x116: {  	v53 =	vld [tilespmem:$0x4600]  }
0x117: {  	v54 =	vld [tilespmem:$0x4600]  }
0x118: {  	v55 =	vld [tilespmem:$0x4600];
	v1 =	vadd.f32 v50, v0  }
0x119: {  	v56 =	vld [tilespmem:$0x4600];
	v2 =	vadd.f32 v51, v0  }
0x11a: {  	v58 =	vld [tilespmem:$0x4600];
	v57 =	vadd.f32 v52, v0;
	[tilespmem:$0x18980] =	vst v1  }
0x11b: {  	v59 =	vadd.f32 v53, v0;
	[tilespmem:$0x18990] =	vst v2  }
0x11c: {  	v60 =	vadd.f32 v54, v0;
	[tilespmem:$0x189A0] =	vst v57  }
0x11d: {  	v61 =	vadd.f32 v55, v0;
	[tilespmem:$0x189B0] =	vst v59  }
0x11e: {  	v62 =	vadd.f32 v56, v0;
	[tilespmem:$0x189F0] =	vst v60  }
0x11f: {  	v63 =	vadd.f32 v58, v0;
	[tilespmem:$0x189D0] =	vst v61  }
0x120: {  	[tilespmem:$0x189E0] =	vst v62  }
0x121: {  	[tilespmem:$0x189C0] =	vst v63  }
0x122: {  	[hbm4b:s24+s2] =	stream.linear.scatter [tilespmem:s28], [sflag:$0x4], $0x200, $0x38;
	[tilespmem:$0x18A00] =	vst v63  }
0x123: {  	_ =	swait.ge [sflag:s26], $0x200  }
0x124: {  	[sflag:s26] =	ssyncset.done $0x0  }
0x125: {  	[sflag:s26] =	ssyncadd.s32 $0xFFFFFE00  }
0x126: {  	_ =	sfence.sel $0x180000  }
0x127: {  	[bflag:$0x0] =	sbarrier.arrive $0xFFFF  }
0x128: {  	_ =	strace $0x90000047  }
0x129: {  	s0 =	stileid.u32;
	[bflag:$0x2] =	sbarrier.arrive $0xFFFF  }
0x12a: {  	p0 =	sne.s32 s0, $0x0;
	s0 =	rddreg [dreg:$0x7]  }
0x12b: {  	s0 =	sadd.s32 @!p0 $0x100000, s0  }
0x12c: {  	[sflag:s0] =	ssyncadd.tile.s32 @!p0 $0x1;
	_ =	shalt  }
.Lfunc_end2:
_tile_overlayer_lowered:
.L_overlay_start_2:
0x12d: {  	(tag) =	ssettag $0x2  }
0x12e: {  	s0 =	rddreg [dreg:$0x0];
	s2 =	stileid.u32  }
0x12f: {  	s1 =	rddreg [dreg:$0x1];
	p0 =	sne.s32 s2, $0x0  }
0x130: {  	s3 =	rddreg [dreg:$0x2];
	[bflag:$0x3] =	sbarrier.arrive $0xFFFF;
	s2 =	simm.s32 @!p0 $0x1C04  }
0x131: {  	[timem:s3], [sflag:s2] =	dma.local @!p0 [hbm:s0], s1  }
0x132: {  	s0 =	simm.s32 @!p0 $0x4  }
0x133: {  	_ =	swait.ge @!p0 [sflag:s0], s1  }
0x134: {  	s1 =	ssub.s32 @!p0 $0x0, s1;
	[sflag:s0] =	ssyncset.done @!p0 $0x0  }
0x135: {  	[sflag:s0] =	ssyncadd.s32 @!p0 s1  }
0x136: {  	[bflag:$0x3] =	sbarrier.arrive $0xFFFF  }
0x137: {  	_ =	shalt  }

</sc_bundles>
